<compile_context>
chip_gen: v7x
topology: tpu7x:2x2x1
jax: 0.10.2.dev20260603
libtpu: 0.0.44.dev20260713+nightly
codegen_flags: <defaults>
</compile_context>

<pallas_src>
import jax
import jax.numpy as jnp
from jax import lax
from jax.experimental import pallas as pl
from jax.experimental.pallas import tpu as pltpu
from jax.experimental.pallas import tpu_sc as plsc

W = 1024
R = 4 * 8192
NC, NS, L = 2, 16, 16
NWORK = NC * NS
ROWS_PER_W = R // NWORK
CHUNK = 16
NCHUNKS = ROWS_PER_W // CHUNK
JBLOCKS = W // L


def _permute_body(x_hbm, idx_hbm, out_hbm, perm_v, inv_v, in0, in1, out0, out1,
                  isem0, isem1, osem0, osem1):
    wid = lax.axis_index("s") * NC + lax.axis_index("c")
    pltpu.sync_copy(idx_hbm, perm_v)

    @plsc.parallel_loop(0, JBLOCKS)
    def _inv(t):
        colv = perm_v[pl.ds(t * L, L)]
        lane = lax.iota(jnp.int32, L) + t * L
        plsc.store_scatter(inv_v, [colv], lane)

    base = wid * ROWS_PER_W
    ins = (in0, in1)
    outs = (out0, out1)
    isems = (isem0, isem1)
    osems = (osem0, osem1)

    def src(g):
        return x_hbm.at[pl.ds(base + g * CHUNK, CHUNK), :]

    def dst(g):
        return out_hbm.at[pl.ds(base + g * CHUNK, CHUNK), :]

    pltpu.async_copy(src(0), ins[0], isems[0])
    pltpu.async_copy(src(1), ins[1], isems[1])

    def super_body(s, _):
        for b in range(2):
            g = 2 * s + b
            pltpu.make_async_copy(src(g), ins[b], isems[b]).wait()

            @pl.when(s > 0)
            def _wait_out():
                pltpu.make_async_copy(outs[b], dst(g - 2), osems[b]).wait()

            inb = ins[b]
            outb = outs[b]

            @plsc.parallel_loop(0, JBLOCKS)
            def _jb(t):
                dcol = inv_v[pl.ds(t * L, L)]
                for r in range(CHUNK):
                    rvec = jnp.full((L,), r, jnp.int32)
                    val = inb[r, pl.ds(t * L, L)]
                    plsc.store_scatter(outb, [rvec, dcol], val)

            pltpu.async_copy(outb, dst(g), osems[b])

            @pl.when(g + 2 < NCHUNKS)
            def _next_in():
                pltpu.async_copy(src(g + 2), ins[b], isems[b])
        return 0

    lax.fori_loop(0, NCHUNKS // 2, super_body, 0)
    pltpu.make_async_copy(outs[0], dst(NCHUNKS - 2), osems[0]).wait()
    pltpu.make_async_copy(outs[1], dst(NCHUNKS - 1), osems[1]).wait()


@jax.jit
def _permute(x2, idx):
    mesh = plsc.VectorSubcoreMesh(core_axis_name="c", subcore_axis_name="s")
    f = pl.kernel(
        _permute_body,
        mesh=mesh,
        out_type=jax.ShapeDtypeStruct((R, W), jnp.float32),
        scratch_types=[
            pltpu.VMEM((W,), jnp.int32),
            pltpu.VMEM((W,), jnp.int32),
            pltpu.VMEM((CHUNK, W), jnp.float32),
            pltpu.VMEM((CHUNK, W), jnp.float32),
            pltpu.VMEM((CHUNK, W), jnp.float32),
            pltpu.VMEM((CHUNK, W), jnp.float32),
            pltpu.SemaphoreType.DMA,
            pltpu.SemaphoreType.DMA,
            pltpu.SemaphoreType.DMA,
            pltpu.SemaphoreType.DMA,
        ],
        compiler_params=pltpu.CompilerParams(
            needs_layout_passes=False, use_tc_tiling_on_sc=True),
    )
    return f(x2, idx)


def kernel(x, perm_idx):
    bsz, ch, w = x.shape
    x2 = x.reshape(R, W)
    idx = perm_idx.astype(jnp.int32)
    out = _permute(x2, idx)
    return (out.reshape(bsz, ch, w), 0)

# --- scband reference (transcript-rebuilt; emitter-appended) ---
"""Pipeline reference for scband-permutation-layer-87686052315881 (READ-ONLY COPY).

The authoritative reference and input builder live on the scoring server;
editing this copy changes nothing except your own understanding.
"""

import jax, jax.numpy as jnp
import numpy as np

STATE_DIM = 1024

def setup_inputs(seed: int = 0) -> dict:
    key = jax.random.key(seed)
    k1, k2 = jax.random.split(key)
    x = jax.random.normal(k1, (4, 8192, 1024), dtype=jnp.float32)
    # buffer created in __init__ via torch.randperm(STATE_DIM)
    perm_idx = jax.random.permutation(k2, jnp.arange(STATE_DIM, dtype=jnp.int64))
    return {"x": x, "perm_idx": perm_idx}

def reference(x, perm_idx):
    bsz, ch, w = x.shape
    xr = x.reshape(bsz, -1, STATE_DIM)
    xr = jnp.take(xr, perm_idx, axis=2)
    out = xr.reshape(bsz, ch, w)
    return (out, 0)

if __name__ == "__main__":
    import jax
    _d = setup_inputs()
    print(jax.jit(kernel)(*tuple(_d.values())))

</pallas_src>

<mosaic_0001>
#map = affine_map<(d0, d1) -> (0, 0)>
#map1 = affine_map<(d0, d1) -> (0)>
module attributes {stable_mosaic.version = 14 : i64} {
  func.func @_permute_body(%arg0: i32, %arg1: i32, %arg2: memref<32768x1024xf32, #tpu.memory_space<hbm>>, %arg3: memref<1024xi32, #tpu.memory_space<hbm>>, %arg4: memref<32768x1024xf32, #tpu.memory_space<hbm>>, %arg5: memref<1024xi32, #tpu.memory_space<vmem>>, %arg6: memref<1024xi32, #tpu.memory_space<vmem>>, %arg7: memref<16x1024xf32, #tpu.memory_space<vmem>>, %arg8: memref<16x1024xf32, #tpu.memory_space<vmem>>, %arg9: memref<16x1024xf32, #tpu.memory_space<vmem>>, %arg10: memref<16x1024xf32, #tpu.memory_space<vmem>>, %arg11: memref<!tpu.dma_semaphore, #tpu.memory_space<semaphore_mem>>, %arg12: memref<!tpu.dma_semaphore, #tpu.memory_space<semaphore_mem>>, %arg13: memref<!tpu.dma_semaphore, #tpu.memory_space<semaphore_mem>>, %arg14: memref<!tpu.dma_semaphore, #tpu.memory_space<semaphore_mem>>) attributes {dimension_semantics = [#tpu.dimension_semantics<core_parallel>, #tpu.dimension_semantics<subcore_parallel>], iteration_bounds = array<i64: 2, 16>, scalar_prefetch = 0 : i64, scratch_operands = 10 : i64, tpu.core_type = #tpu.core_type<sc_vector_subcore>, window_params = [{transform_indices = #map}, {transform_indices = #map1}, {transform_indices = #map}]} {
    %mul3A = arith.constant 2 : i32
    %mul3A_0 = arith.muli %arg1, %mul3A : i32
    %add3A = arith.addi %mul3A_0, %arg0 : i32
    "tpu.region"() ({
      %run_scoped3A = tpu.sem_alloc : memref<!tpu.dma_semaphore, #tpu.memory_space<semaphore_mem>>
      tpu.enqueue_dma source(%arg3 : memref<1024xi32, #tpu.memory_space<hbm>>) target(%arg5 : memref<1024xi32, #tpu.memory_space<vmem>>) target_semaphore(%run_scoped3A : memref<!tpu.dma_semaphore, #tpu.memory_space<semaphore_mem>>)
      tpu.wait_dma2 semaphore(%run_scoped3A : memref<!tpu.dma_semaphore, #tpu.memory_space<semaphore_mem>>) src(%arg3 : memref<1024xi32, #tpu.memory_space<hbm>>) dst(%arg5 : memref<1024xi32, #tpu.memory_space<vmem>>)
      tpu.yield
    }) : () -> ()
    %parallel_loop3A = arith.constant 0 : i32
    %parallel_loop3A_1 = arith.constant 64 : i32
    %parallel_loop3A_2 = arith.constant 1 : i32
    scf.for %parallel_loop3A_33 = %parallel_loop3A to %parallel_loop3A_1 step %parallel_loop3A_2  : i32 {
      %parallel_loop3A_34 = arith.constant 16 : i32
      %parallel_loop3A_35 = arith.muli %parallel_loop3A_33, %parallel_loop3A_34 : i32
      %parallel_loop3A_36 = arith.index_cast %parallel_loop3A_35 : i32 to index
      %parallel_loop3A_37 = tpu.vector_load %arg5[%parallel_loop3A_36] {strides = array<i32>} : memref<1024xi32, #tpu.memory_space<vmem>>, vector<16xi32>,
      %parallel_loop3A_38 = tpu.iota {dimensions = array<i32: 0>} : vector<16xi32>
      %parallel_loop3A_39 = arith.constant 16 : i32
      %parallel_loop3A_40 = arith.muli %parallel_loop3A_33, %parallel_loop3A_39 : i32
      %parallel_loop3A_41 = vector.broadcast %parallel_loop3A_40 : i32 to vector<16xi32>
      %parallel_loop3A_42 = arith.addi %parallel_loop3A_38, %parallel_loop3A_41 : vector<16xi32>
      tpu.vector_store_idx %arg6[%parallel_loop3A_37], %parallel_loop3A_42 : memref<1024xi32, #tpu.memory_space<vmem>>[vector<16xi32>], vector<16xi32>,
    } {sc.loop_unroll_factor = 1 : i64, sc.parallel_access}
    %mul3A_3 = arith.constant 1024 : i32
    %mul3A_4 = arith.muli %add3A, %mul3A_3 : i32
    %add3A_5 = arith.constant 0 : i32
    %add3A_6 = arith.addi %mul3A_4, %add3A_5 : i32
    %dma_start3A = arith.constant 0 : i32
    %dma_start3A_7 = tpu.memref_slice %arg2[%add3A_6, %dma_start3A] : memref<32768x1024xf32, #tpu.memory_space<hbm>> -> memref<16x1024xf32, #tpu.memory_space<hbm>>
    %dma_start3A_8 = arith.constant 0 : i32
    %dma_start3A_9 = tpu.memref_slice %arg2[%add3A_6, %dma_start3A_8] : memref<32768x1024xf32, #tpu.memory_space<hbm>> -> memref<16x1024xf32, #tpu.memory_space<hbm>>
    tpu.enqueue_dma source(%dma_start3A_9 : memref<16x1024xf32, #tpu.memory_space<hbm>>) target(%arg7 : memref<16x1024xf32, #tpu.memory_space<vmem>>) target_semaphore(%arg11 : memref<!tpu.dma_semaphore, #tpu.memory_space<semaphore_mem>>)
    %add3A_10 = arith.constant 16 : i32
    %add3A_11 = arith.addi %mul3A_4, %add3A_10 : i32
    %dma_start3A_12 = arith.constant 0 : i32
    %dma_start3A_13 = tpu.memref_slice %arg2[%add3A_11, %dma_start3A_12] : memref<32768x1024xf32, #tpu.memory_space<hbm>> -> memref<16x1024xf32, #tpu.memory_space<hbm>>
    %dma_start3A_14 = arith.constant 0 : i32
    %dma_start3A_15 = tpu.memref_slice %arg2[%add3A_11, %dma_start3A_14] : memref<32768x1024xf32, #tpu.memory_space<hbm>> -> memref<16x1024xf32, #tpu.memory_space<hbm>>
    tpu.enqueue_dma source(%dma_start3A_15 : memref<16x1024xf32, #tpu.memory_space<hbm>>) target(%arg8 : memref<16x1024xf32, #tpu.memory_space<vmem>>) target_semaphore(%arg12 : memref<!tpu.dma_semaphore, #tpu.memory_space<semaphore_mem>>)
    %scan3A = arith.constant 0 : i32
    %scan3A_16 = arith.constant 0 : i32
    %scan3A_17 = arith.constant 32 : i32
    %scan3A_18 = arith.addi %scan3A_16, %scan3A_17 : i32
    %scan3A_19 = arith.constant 1 : i32
    %scan3A_20 = scf.for %scan3A_33 = %scan3A_16 to %scan3A_18 step %scan3A_19 iter_args(%scan3A_34 = %scan3A) -> (i32)  : i32 {
      %mul3A_35 = arith.constant 2 : i32
      %mul3A_36 = arith.muli %mul3A_35, %scan3A_33 : i32
      %add3A_37 = arith.constant 0 : i32
      %add3A_38 = arith.addi %mul3A_36, %add3A_37 : i32
      %mul3A_39 = arith.constant 16 : i32
      %mul3A_40 = arith.muli %add3A_38, %mul3A_39 : i32
      %add3A_41 = arith.addi %mul3A_4, %mul3A_40 : i32
      %dma_wait3A_42 = arith.constant 0 : i32
      %dma_wait3A_43 = tpu.memref_slice %arg2[%add3A_41, %dma_wait3A_42] : memref<32768x1024xf32, #tpu.memory_space<hbm>> -> memref<16x1024xf32, #tpu.memory_space<hbm>>
      %dma_wait3A_44 = arith.constant 0 : i32
      %dma_wait3A_45 = tpu.memref_slice %arg2[%add3A_41, %dma_wait3A_44] : memref<32768x1024xf32, #tpu.memory_space<hbm>> -> memref<16x1024xf32, #tpu.memory_space<hbm>>
      tpu.wait_dma2 semaphore(%arg11 : memref<!tpu.dma_semaphore, #tpu.memory_space<semaphore_mem>>) src(%dma_wait3A_45 : memref<16x1024xf32, #tpu.memory_space<hbm>>) dst(%arg7 : memref<16x1024xf32, #tpu.memory_space<vmem>>)
      %gt3A = arith.constant 0 : i32
      %gt3A_46 = arith.cmpi sgt, %scan3A_33, %gt3A : i32
      %convert_element_type3A = arith.extui %gt3A_46 : i1 to i32
      %cond3A = arith.constant 0 : i32
      %cond3A_47 = arith.cmpi ne, %convert_element_type3A, %cond3A : i32
      scf.if %cond3A_47 {
        %sub3A = arith.constant 2 : i32
        %sub3A_98 = arith.subi %add3A_38, %sub3A : i32
        %mul3A_99 = arith.constant 16 : i32
        %mul3A_100 = arith.muli %sub3A_98, %mul3A_99 : i32
        %add3A_101 = arith.addi %mul3A_4, %mul3A_100 : i32
        %dma_wait3A_102 = arith.constant 0 : i32
        %dma_wait3A_103 = tpu.memref_slice %arg4[%add3A_101, %dma_wait3A_102] : memref<32768x1024xf32, #tpu.memory_space<hbm>> -> memref<16x1024xf32, #tpu.memory_space<hbm>>
        %dma_wait3A_104 = arith.constant 0 : i32
        %dma_wait3A_105 = tpu.memref_slice %arg4[%add3A_101, %dma_wait3A_104] : memref<32768x1024xf32, #tpu.memory_space<hbm>> -> memref<16x1024xf32, #tpu.memory_space<hbm>>
        tpu.wait_dma2 semaphore(%arg13 : memref<!tpu.dma_semaphore, #tpu.memory_space<semaphore_mem>>) src(%arg9 : memref<16x1024xf32, #tpu.memory_space<vmem>>) dst(%dma_wait3A_105 : memref<16x1024xf32, #tpu.memory_space<hbm>>)
      } else {
      }
      %parallel_loop3A_48 = arith.constant 0 : i32
      %parallel_loop3A_49 = arith.constant 64 : i32
      %parallel_loop3A_50 = arith.constant 1 : i32
      scf.for %parallel_loop3A_98 = %parallel_loop3A_48 to %parallel_loop3A_49 step %parallel_loop3A_50  : i32 {
        %parallel_loop3A_99 = arith.constant 16 : i32
        %parallel_loop3A_100 = arith.muli %parallel_loop3A_98, %parallel_loop3A_99 : i32
        %parallel_loop3A_101 = arith.index_cast %parallel_loop3A_100 : i32 to index
        %parallel_loop3A_102 = tpu.vector_load %arg6[%parallel_loop3A_101] {strides = array<i32>} : memref<1024xi32, #tpu.memory_space<vmem>>, vector<16xi32>,
        %parallel_loop3A_103 = arith.constant 0 : i32
        %parallel_loop3A_104 = vector.broadcast %parallel_loop3A_103 : i32 to vector<16xi32>
        %parallel_loop3A_105 = arith.constant 16 : i32
        %parallel_loop3A_106 = arith.muli %parallel_loop3A_98, %parallel_loop3A_105 : i32
        %parallel_loop3A_107 = arith.constant 0 : i32
        %parallel_loop3A_108 = arith.index_cast %parallel_loop3A_107 : i32 to index
        %parallel_loop3A_109 = arith.index_cast %parallel_loop3A_106 : i32 to index
        %parallel_loop3A_110 = tpu.vector_load %arg7[%parallel_loop3A_108, %parallel_loop3A_109] {strides = array<i32>} : memref<16x1024xf32, #tpu.memory_space<vmem>>, vector<16xf32>,
        tpu.vector_store_idx %arg9[%parallel_loop3A_104, %parallel_loop3A_102], %parallel_loop3A_110 : memref<16x1024xf32, #tpu.memory_space<vmem>>[vector<16xi32>, vector<16xi32>], vector<16xf32>,
        %parallel_loop3A_111 = arith.constant 1 : i32
        %parallel_loop3A_112 = vector.broadcast %parallel_loop3A_111 : i32 to vector<16xi32>
        %parallel_loop3A_113 = arith.constant 16 : i32
        %parallel_loop3A_114 = arith.muli %parallel_loop3A_98, %parallel_loop3A_113 : i32
        %parallel_loop3A_115 = arith.constant 1 : i32
        %parallel_loop3A_116 = arith.index_cast %parallel_loop3A_115 : i32 to index
        %parallel_loop3A_117 = arith.index_cast %parallel_loop3A_114 : i32 to index
        %parallel_loop3A_118 = tpu.vector_load %arg7[%parallel_loop3A_116, %parallel_loop3A_117] {strides = array<i32>} : memref<16x1024xf32, #tpu.memory_space<vmem>>, vector<16xf32>,
        tpu.vector_store_idx %arg9[%parallel_loop3A_112, %parallel_loop3A_102], %parallel_loop3A_118 : memref<16x1024xf32, #tpu.memory_space<vmem>>[vector<16xi32>, vector<16xi32>], vector<16xf32>,
        %parallel_loop3A_119 = arith.constant 2 : i32
        %parallel_loop3A_120 = vector.broadcast %parallel_loop3A_119 : i32 to vector<16xi32>
        %parallel_loop3A_121 = arith.constant 16 : i32
        %parallel_loop3A_122 = arith.muli %parallel_loop3A_98, %parallel_loop3A_121 : i32
        %parallel_loop3A_123 = arith.constant 2 : i32
        %parallel_loop3A_124 = arith.index_cast %parallel_loop3A_123 : i32 to index
        %parallel_loop3A_125 = arith.index_cast %parallel_loop3A_122 : i32 to index
        %parallel_loop3A_126 = tpu.vector_load %arg7[%parallel_loop3A_124, %parallel_loop3A_125] {strides = array<i32>} : memref<16x1024xf32, #tpu.memory_space<vmem>>, vector<16xf32>,
        tpu.vector_store_idx %arg9[%parallel_loop3A_120, %parallel_loop3A_102], %parallel_loop3A_126 : memref<16x1024xf32, #tpu.memory_space<vmem>>[vector<16xi32>, vector<16xi32>], vector<16xf32>,
        %parallel_loop3A_127 = arith.constant 3 : i32
        %parallel_loop3A_128 = vector.broadcast %parallel_loop3A_127 : i32 to vector<16xi32>
        %parallel_loop3A_129 = arith.constant 16 : i32
        %parallel_loop3A_130 = arith.muli %parallel_loop3A_98, %parallel_loop3A_129 : i32
        %parallel_loop3A_131 = arith.constant 3 : i32
        %parallel_loop3A_132 = arith.index_cast %parallel_loop3A_131 : i32 to index
        %parallel_loop3A_133 = arith.index_cast %parallel_loop3A_130 : i32 to index
        %parallel_loop3A_134 = tpu.vector_load %arg7[%parallel_loop3A_132, %parallel_loop3A_133] {strides = array<i32>} : memref<16x1024xf32, #tpu.memory_space<vmem>>, vector<16xf32>,
        tpu.vector_store_idx %arg9[%parallel_loop3A_128, %parallel_loop3A_102], %parallel_loop3A_134 : memref<16x1024xf32, #tpu.memory_space<vmem>>[vector<16xi32>, vector<16xi32>], vector<16xf32>,
        %parallel_loop3A_135 = arith.constant 4 : i32
        %parallel_loop3A_136 = vector.broadcast %parallel_loop3A_135 : i32 to vector<16xi32>
        %parallel_loop3A_137 = arith.constant 16 : i32
        %parallel_loop3A_138 = arith.muli %parallel_loop3A_98, %parallel_loop3A_137 : i32
        %parallel_loop3A_139 = arith.constant 4 : i32
        %parallel_loop3A_140 = arith.index_cast %parallel_loop3A_139 : i32 to index
        %parallel_loop3A_141 = arith.index_cast %parallel_loop3A_138 : i32 to index
        %parallel_loop3A_142 = tpu.vector_load %arg7[%parallel_loop3A_140, %parallel_loop3A_141] {strides = array<i32>} : memref<16x1024xf32, #tpu.memory_space<vmem>>, vector<16xf32>,
        tpu.vector_store_idx %arg9[%parallel_loop3A_136, %parallel_loop3A_102], %parallel_loop3A_142 : memref<16x1024xf32, #tpu.memory_space<vmem>>[vector<16xi32>, vector<16xi32>], vector<16xf32>,
        %parallel_loop3A_143 = arith.constant 5 : i32
        %parallel_loop3A_144 = vector.broadcast %parallel_loop3A_143 : i32 to vector<16xi32>
        %parallel_loop3A_145 = arith.constant 16 : i32
        %parallel_loop3A_146 = arith.muli %parallel_loop3A_98, %parallel_loop3A_145 : i32
        %parallel_loop3A_147 = arith.constant 5 : i32
        %parallel_loop3A_148 = arith.index_cast %parallel_loop3A_147 : i32 to index
        %parallel_loop3A_149 = arith.index_cast %parallel_loop3A_146 : i32 to index
        %parallel_loop3A_150 = tpu.vector_load %arg7[%parallel_loop3A_148, %parallel_loop3A_149] {strides = array<i32>} : memref<16x1024xf32, #tpu.memory_space<vmem>>, vector<16xf32>,
        tpu.vector_store_idx %arg9[%parallel_loop3A_144, %parallel_loop3A_102], %parallel_loop3A_150 : memref<16x1024xf32, #tpu.memory_space<vmem>>[vector<16xi32>, vector<16xi32>], vector<16xf32>,
        %parallel_loop3A_151 = arith.constant 6 : i32
        %parallel_loop3A_152 = vector.broadcast %parallel_loop3A_151 : i32 to vector<16xi32>
        %parallel_loop3A_153 = arith.constant 16 : i32
        %parallel_loop3A_154 = arith.muli %parallel_loop3A_98, %parallel_loop3A_153 : i32
        %parallel_loop3A_155 = arith.constant 6 : i32
        %parallel_loop3A_156 = arith.index_cast %parallel_loop3A_155 : i32 to index
        %parallel_loop3A_157 = arith.index_cast %parallel_loop3A_154 : i32 to index
        %parallel_loop3A_158 = tpu.vector_load %arg7[%parallel_loop3A_156, %parallel_loop3A_157] {strides = array<i32>} : memref<16x1024xf32, #tpu.memory_space<vmem>>, vector<16xf32>,
        tpu.vector_store_idx %arg9[%parallel_loop3A_152, %parallel_loop3A_102], %parallel_loop3A_158 : memref<16x1024xf32, #tpu.memory_space<vmem>>[vector<16xi32>, vector<16xi32>], vector<16xf32>,
        %parallel_loop3A_159 = arith.constant 7 : i32
        %parallel_loop3A_160 = vector.broadcast %parallel_loop3A_159 : i32 to vector<16xi32>
        %parallel_loop3A_161 = arith.constant 16 : i32
        %parallel_loop3A_162 = arith.muli %parallel_loop3A_98, %parallel_loop3A_161 : i32
        %parallel_loop3A_163 = arith.constant 7 : i32
        %parallel_loop3A_164 = arith.index_cast %parallel_loop3A_163 : i32 to index
        %parallel_loop3A_165 = arith.index_cast %parallel_loop3A_162 : i32 to index
        %parallel_loop3A_166 = tpu.vector_load %arg7[%parallel_loop3A_164, %parallel_loop3A_165] {strides = array<i32>} : memref<16x1024xf32, #tpu.memory_space<vmem>>, vector<16xf32>,
        tpu.vector_store_idx %arg9[%parallel_loop3A_160, %parallel_loop3A_102], %parallel_loop3A_166 : memref<16x1024xf32, #tpu.memory_space<vmem>>[vector<16xi32>, vector<16xi32>], vector<16xf32>,
        %parallel_loop3A_167 = arith.constant 8 : i32
        %parallel_loop3A_168 = vector.broadcast %parallel_loop3A_167 : i32 to vector<16xi32>
        %parallel_loop3A_169 = arith.constant 16 : i32
        %parallel_loop3A_170 = arith.muli %parallel_loop3A_98, %parallel_loop3A_169 : i32
        %parallel_loop3A_171 = arith.constant 8 : i32
        %parallel_loop3A_172 = arith.index_cast %parallel_loop3A_171 : i32 to index
        %parallel_loop3A_173 = arith.index_cast %parallel_loop3A_170 : i32 to index
        %parallel_loop3A_174 = tpu.vector_load %arg7[%parallel_loop3A_172, %parallel_loop3A_173] {strides = array<i32>} : memref<16x1024xf32, #tpu.memory_space<vmem>>, vector<16xf32>,
        tpu.vector_store_idx %arg9[%parallel_loop3A_168, %parallel_loop3A_102], %parallel_loop3A_174 : memref<16x1024xf32, #tpu.memory_space<vmem>>[vector<16xi32>, vector<16xi32>], vector<16xf32>,
        %parallel_loop3A_175 = arith.constant 9 : i32
        %parallel_loop3A_176 = vector.broadcast %parallel_loop3A_175 : i32 to vector<16xi32>
        %parallel_loop3A_177 = arith.constant 16 : i32
        %parallel_loop3A_178 = arith.muli %parallel_loop3A_98, %parallel_loop3A_177 : i32
        %parallel_loop3A_179 = arith.constant 9 : i32
        %parallel_loop3A_180 = arith.index_cast %parallel_loop3A_179 : i32 to index
        %parallel_loop3A_181 = arith.index_cast %parallel_loop3A_178 : i32 to index
        %parallel_loop3A_182 = tpu.vector_load %arg7[%parallel_loop3A_180, %parallel_loop3A_181] {strides = array<i32>} : memref<16x1024xf32, #tpu.memory_space<vmem>>, vector<16xf32>,
        tpu.vector_store_idx %arg9[%parallel_loop3A_176, %parallel_loop3A_102], %parallel_loop3A_182 : memref<16x1024xf32, #tpu.memory_space<vmem>>[vector<16xi32>, vector<16xi32>], vector<16xf32>,
        %parallel_loop3A_183 = arith.constant 10 : i32
        %parallel_loop3A_184 = vector.broadcast %parallel_loop3A_183 : i32 to vector<16xi32>
        %parallel_loop3A_185 = arith.constant 16 : i32
        %parallel_loop3A_186 = arith.muli %parallel_loop3A_98, %parallel_loop3A_185 : i32
        %parallel_loop3A_187 = arith.constant 10 : i32
        %parallel_loop3A_188 = arith.index_cast %parallel_loop3A_187 : i32 to index
        %parallel_loop3A_189 = arith.index_cast %parallel_loop3A_186 : i32 to index
        %parallel_loop3A_190 = tpu.vector_load %arg7[%parallel_loop3A_188, %parallel_loop3A_189] {strides = array<i32>} : memref<16x1024xf32, #tpu.memory_space<vmem>>, vector<16xf32>,
        tpu.vector_store_idx %arg9[%parallel_loop3A_184, %parallel_loop3A_102], %parallel_loop3A_190 : memref<16x1024xf32, #tpu.memory_space<vmem>>[vector<16xi32>, vector<16xi32>], vector<16xf32>,
        %parallel_loop3A_191 = arith.constant 11 : i32
        %parallel_loop3A_192 = vector.broadcast %parallel_loop3A_191 : i32 to vector<16xi32>
        %parallel_loop3A_193 = arith.constant 16 : i32
        %parallel_loop3A_194 = arith.muli %parallel_loop3A_98, %parallel_loop3A_193 : i32
        %parallel_loop3A_195 = arith.constant 11 : i32
        %parallel_loop3A_196 = arith.index_cast %parallel_loop3A_195 : i32 to index
        %parallel_loop3A_197 = arith.index_cast %parallel_loop3A_194 : i32 to index
        %parallel_loop3A_198 = tpu.vector_load %arg7[%parallel_loop3A_196, %parallel_loop3A_197] {strides = array<i32>} : memref<16x1024xf32, #tpu.memory_space<vmem>>, vector<16xf32>,
        tpu.vector_store_idx %arg9[%parallel_loop3A_192, %parallel_loop3A_102], %parallel_loop3A_198 : memref<16x1024xf32, #tpu.memory_space<vmem>>[vector<16xi32>, vector<16xi32>], vector<16xf32>,
        %parallel_loop3A_199 = arith.constant 12 : i32
        %parallel_loop3A_200 = vector.broadcast %parallel_loop3A_199 : i32 to vector<16xi32>
        %parallel_loop3A_201 = arith.constant 16 : i32
        %parallel_loop3A_202 = arith.muli %parallel_loop3A_98, %parallel_loop3A_201 : i32
        %parallel_loop3A_203 = arith.constant 12 : i32
        %parallel_loop3A_204 = arith.index_cast %parallel_loop3A_203 : i32 to index
        %parallel_loop3A_205 = arith.index_cast %parallel_loop3A_202 : i32 to index
        %parallel_loop3A_206 = tpu.vector_load %arg7[%parallel_loop3A_204, %parallel_loop3A_205] {strides = array<i32>} : memref<16x1024xf32, #tpu.memory_space<vmem>>, vector<16xf32>,
        tpu.vector_store_idx %arg9[%parallel_loop3A_200, %parallel_loop3A_102], %parallel_loop3A_206 : memref<16x1024xf32, #tpu.memory_space<vmem>>[vector<16xi32>, vector<16xi32>], vector<16xf32>,
        %parallel_loop3A_207 = arith.constant 13 : i32
        %parallel_loop3A_208 = vector.broadcast %parallel_loop3A_207 : i32 to vector<16xi32>
        %parallel_loop3A_209 = arith.constant 16 : i32
        %parallel_loop3A_210 = arith.muli %parallel_loop3A_98, %parallel_loop3A_209 : i32
        %parallel_loop3A_211 = arith.constant 13 : i32
        %parallel_loop3A_212 = arith.index_cast %parallel_loop3A_211 : i32 to index
        %parallel_loop3A_213 = arith.index_cast %parallel_loop3A_210 : i32 to index
        %parallel_loop3A_214 = tpu.vector_load %arg7[%parallel_loop3A_212, %parallel_loop3A_213] {strides = array<i32>} : memref<16x1024xf32, #tpu.memory_space<vmem>>, vector<16xf32>,
        tpu.vector_store_idx %arg9[%parallel_loop3A_208, %parallel_loop3A_102], %parallel_loop3A_214 : memref<16x1024xf32, #tpu.memory_space<vmem>>[vector<16xi32>, vector<16xi32>], vector<16xf32>,
        %parallel_loop3A_215 = arith.constant 14 : i32
        %parallel_loop3A_216 = vector.broadcast %parallel_loop3A_215 : i32 to vector<16xi32>
        %parallel_loop3A_217 = arith.constant 16 : i32
        %parallel_loop3A_218 = arith.muli %parallel_loop3A_98, %parallel_loop3A_217 : i32
        %parallel_loop3A_219 = arith.constant 14 : i32
        %parallel_loop3A_220 = arith.index_cast %parallel_loop3A_219 : i32 to index
        %parallel_loop3A_221 = arith.index_cast %parallel_loop3A_218 : i32 to index
        %parallel_loop3A_222 = tpu.vector_load %arg7[%parallel_loop3A_220, %parallel_loop3A_221] {strides = array<i32>} : memref<16x1024xf32, #tpu.memory_space<vmem>>, vector<16xf32>,
        tpu.vector_store_idx %arg9[%parallel_loop3A_216, %parallel_loop3A_102], %parallel_loop3A_222 : memref<16x1024xf32, #tpu.memory_space<vmem>>[vector<16xi32>, vector<16xi32>], vector<16xf32>,
        %parallel_loop3A_223 = arith.constant 15 : i32
        %parallel_loop3A_224 = vector.broadcast %parallel_loop3A_223 : i32 to vector<16xi32>
        %parallel_loop3A_225 = arith.constant 16 : i32
        %parallel_loop3A_226 = arith.muli %parallel_loop3A_98, %parallel_loop3A_225 : i32
        %parallel_loop3A_227 = arith.constant 15 : i32
        %parallel_loop3A_228 = arith.index_cast %parallel_loop3A_227 : i32 to index
        %parallel_loop3A_229 = arith.index_cast %parallel_loop3A_226 : i32 to index
        %parallel_loop3A_230 = tpu.vector_load %arg7[%parallel_loop3A_228, %parallel_loop3A_229] {strides = array<i32>} : memref<16x1024xf32, #tpu.memory_space<vmem>>, vector<16xf32>,
        tpu.vector_store_idx %arg9[%parallel_loop3A_224, %parallel_loop3A_102], %parallel_loop3A_230 : memref<16x1024xf32, #tpu.memory_space<vmem>>[vector<16xi32>, vector<16xi32>], vector<16xf32>,
      } {sc.loop_unroll_factor = 1 : i64, sc.parallel_access}
      %mul3A_51 = arith.constant 16 : i32
      %mul3A_52 = arith.muli %add3A_38, %mul3A_51 : i32
      %add3A_53 = arith.addi %mul3A_4, %mul3A_52 : i32
      %dma_start3A_54 = arith.constant 0 : i32
      %dma_start3A_55 = tpu.memref_slice %arg4[%add3A_53, %dma_start3A_54] : memref<32768x1024xf32, #tpu.memory_space<hbm>> -> memref<16x1024xf32, #tpu.memory_space<hbm>>
      %dma_start3A_56 = arith.constant 0 : i32
      %dma_start3A_57 = tpu.memref_slice %arg4[%add3A_53, %dma_start3A_56] : memref<32768x1024xf32, #tpu.memory_space<hbm>> -> memref<16x1024xf32, #tpu.memory_space<hbm>>
      tpu.enqueue_dma source(%arg9 : memref<16x1024xf32, #tpu.memory_space<vmem>>) target(%dma_start3A_57 : memref<16x1024xf32, #tpu.memory_space<hbm>>) target_semaphore(%arg13 : memref<!tpu.dma_semaphore, #tpu.memory_space<semaphore_mem>>)
      %add3A_58 = arith.constant 2 : i32
      %add3A_59 = arith.addi %add3A_38, %add3A_58 : i32
      %lt3A = arith.constant 64 : i32
      %lt3A_60 = arith.cmpi slt, %add3A_59, %lt3A : i32
      %convert_element_type3A_61 = arith.extui %lt3A_60 : i1 to i32
      %cond3A_62 = arith.constant 0 : i32
      %cond3A_63 = arith.cmpi ne, %convert_element_type3A_61, %cond3A_62 : i32
      scf.if %cond3A_63 {
        %add3A_98 = arith.constant 2 : i32
        %add3A_99 = arith.addi %add3A_38, %add3A_98 : i32
        %mul3A_100 = arith.constant 16 : i32
        %mul3A_101 = arith.muli %add3A_99, %mul3A_100 : i32
        %add3A_102 = arith.addi %mul3A_4, %mul3A_101 : i32
        %dma_start3A_103 = arith.constant 0 : i32
        %dma_start3A_104 = tpu.memref_slice %arg2[%add3A_102, %dma_start3A_103] : memref<32768x1024xf32, #tpu.memory_space<hbm>> -> memref<16x1024xf32, #tpu.memory_space<hbm>>
        %dma_start3A_105 = arith.constant 0 : i32
        %dma_start3A_106 = tpu.memref_slice %arg2[%add3A_102, %dma_start3A_105] : memref<32768x1024xf32, #tpu.memory_space<hbm>> -> memref<16x1024xf32, #tpu.memory_space<hbm>>
        tpu.enqueue_dma source(%dma_start3A_106 : memref<16x1024xf32, #tpu.memory_space<hbm>>) target(%arg7 : memref<16x1024xf32, #tpu.memory_space<vmem>>) target_semaphore(%arg11 : memref<!tpu.dma_semaphore, #tpu.memory_space<semaphore_mem>>)
      } else {
      }
      %mul3A_64 = arith.constant 2 : i32
      %mul3A_65 = arith.muli %mul3A_64, %scan3A_33 : i32
      %add3A_66 = arith.constant 1 : i32
      %add3A_67 = arith.addi %mul3A_65, %add3A_66 : i32
      %mul3A_68 = arith.constant 16 : i32
      %mul3A_69 = arith.muli %add3A_67, %mul3A_68 : i32
      %add3A_70 = arith.addi %mul3A_4, %mul3A_69 : i32
      %dma_wait3A_71 = arith.constant 0 : i32
      %dma_wait3A_72 = tpu.memref_slice %arg2[%add3A_70, %dma_wait3A_71] : memref<32768x1024xf32, #tpu.memory_space<hbm>> -> memref<16x1024xf32, #tpu.memory_space<hbm>>
      %dma_wait3A_73 = arith.constant 0 : i32
      %dma_wait3A_74 = tpu.memref_slice %arg2[%add3A_70, %dma_wait3A_73] : memref<32768x1024xf32, #tpu.memory_space<hbm>> -> memref<16x1024xf32, #tpu.memory_space<hbm>>
      tpu.wait_dma2 semaphore(%arg12 : memref<!tpu.dma_semaphore, #tpu.memory_space<semaphore_mem>>) src(%dma_wait3A_74 : memref<16x1024xf32, #tpu.memory_space<hbm>>) dst(%arg8 : memref<16x1024xf32, #tpu.memory_space<vmem>>)
      %gt3A_75 = arith.constant 0 : i32
      %gt3A_76 = arith.cmpi sgt, %scan3A_33, %gt3A_75 : i32
      %convert_element_type3A_77 = arith.extui %gt3A_76 : i1 to i32
      %cond3A_78 = arith.constant 0 : i32
      %cond3A_79 = arith.cmpi ne, %convert_element_type3A_77, %cond3A_78 : i32
      scf.if %cond3A_79 {
        %sub3A = arith.constant 2 : i32
        %sub3A_98 = arith.subi %add3A_67, %sub3A : i32
        %mul3A_99 = arith.constant 16 : i32
        %mul3A_100 = arith.muli %sub3A_98, %mul3A_99 : i32
        %add3A_101 = arith.addi %mul3A_4, %mul3A_100 : i32
        %dma_wait3A_102 = arith.constant 0 : i32
        %dma_wait3A_103 = tpu.memref_slice %arg4[%add3A_101, %dma_wait3A_102] : memref<32768x1024xf32, #tpu.memory_space<hbm>> -> memref<16x1024xf32, #tpu.memory_space<hbm>>
        %dma_wait3A_104 = arith.constant 0 : i32
        %dma_wait3A_105 = tpu.memref_slice %arg4[%add3A_101, %dma_wait3A_104] : memref<32768x1024xf32, #tpu.memory_space<hbm>> -> memref<16x1024xf32, #tpu.memory_space<hbm>>
        tpu.wait_dma2 semaphore(%arg14 : memref<!tpu.dma_semaphore, #tpu.memory_space<semaphore_mem>>) src(%arg10 : memref<16x1024xf32, #tpu.memory_space<vmem>>) dst(%dma_wait3A_105 : memref<16x1024xf32, #tpu.memory_space<hbm>>)
      } else {
      }
      %parallel_loop3A_80 = arith.constant 0 : i32
      %parallel_loop3A_81 = arith.constant 64 : i32
      %parallel_loop3A_82 = arith.constant 1 : i32
      scf.for %parallel_loop3A_98 = %parallel_loop3A_80 to %parallel_loop3A_81 step %parallel_loop3A_82  : i32 {
        %parallel_loop3A_99 = arith.constant 16 : i32
        %parallel_loop3A_100 = arith.muli %parallel_loop3A_98, %parallel_loop3A_99 : i32
        %parallel_loop3A_101 = arith.index_cast %parallel_loop3A_100 : i32 to index
        %parallel_loop3A_102 = tpu.vector_load %arg6[%parallel_loop3A_101] {strides = array<i32>} : memref<1024xi32, #tpu.memory_space<vmem>>, vector<16xi32>,
        %parallel_loop3A_103 = arith.constant 0 : i32
        %parallel_loop3A_104 = vector.broadcast %parallel_loop3A_103 : i32 to vector<16xi32>
        %parallel_loop3A_105 = arith.constant 16 : i32
        %parallel_loop3A_106 = arith.muli %parallel_loop3A_98, %parallel_loop3A_105 : i32
        %parallel_loop3A_107 = arith.constant 0 : i32
        %parallel_loop3A_108 = arith.index_cast %parallel_loop3A_107 : i32 to index
        %parallel_loop3A_109 = arith.index_cast %parallel_loop3A_106 : i32 to index
        %parallel_loop3A_110 = tpu.vector_load %arg8[%parallel_loop3A_108, %parallel_loop3A_109] {strides = array<i32>} : memref<16x1024xf32, #tpu.memory_space<vmem>>, vector<16xf32>,
        tpu.vector_store_idx %arg10[%parallel_loop3A_104, %parallel_loop3A_102], %parallel_loop3A_110 : memref<16x1024xf32, #tpu.memory_space<vmem>>[vector<16xi32>, vector<16xi32>], vector<16xf32>,
        %parallel_loop3A_111 = arith.constant 1 : i32
        %parallel_loop3A_112 = vector.broadcast %parallel_loop3A_111 : i32 to vector<16xi32>
        %parallel_loop3A_113 = arith.constant 16 : i32
        %parallel_loop3A_114 = arith.muli %parallel_loop3A_98, %parallel_loop3A_113 : i32
        %parallel_loop3A_115 = arith.constant 1 : i32
        %parallel_loop3A_116 = arith.index_cast %parallel_loop3A_115 : i32 to index
        %parallel_loop3A_117 = arith.index_cast %parallel_loop3A_114 : i32 to index
        %parallel_loop3A_118 = tpu.vector_load %arg8[%parallel_loop3A_116, %parallel_loop3A_117] {strides = array<i32>} : memref<16x1024xf32, #tpu.memory_space<vmem>>, vector<16xf32>,
        tpu.vector_store_idx %arg10[%parallel_loop3A_112, %parallel_loop3A_102], %parallel_loop3A_118 : memref<16x1024xf32, #tpu.memory_space<vmem>>[vector<16xi32>, vector<16xi32>], vector<16xf32>,
        %parallel_loop3A_119 = arith.constant 2 : i32
        %parallel_loop3A_120 = vector.broadcast %parallel_loop3A_119 : i32 to vector<16xi32>
        %parallel_loop3A_121 = arith.constant 16 : i32
        %parallel_loop3A_122 = arith.muli %parallel_loop3A_98, %parallel_loop3A_121 : i32
        %parallel_loop3A_123 = arith.constant 2 : i32
        %parallel_loop3A_124 = arith.index_cast %parallel_loop3A_123 : i32 to index
        %parallel_loop3A_125 = arith.index_cast %parallel_loop3A_122 : i32 to index
        %parallel_loop3A_126 = tpu.vector_load %arg8[%parallel_loop3A_124, %parallel_loop3A_125] {strides = array<i32>} : memref<16x1024xf32, #tpu.memory_space<vmem>>, vector<16xf32>,
        tpu.vector_store_idx %arg10[%parallel_loop3A_120, %parallel_loop3A_102], %parallel_loop3A_126 : memref<16x1024xf32, #tpu.memory_space<vmem>>[vector<16xi32>, vector<16xi32>], vector<16xf32>,
        %parallel_loop3A_127 = arith.constant 3 : i32
        %parallel_loop3A_128 = vector.broadcast %parallel_loop3A_127 : i32 to vector<16xi32>
        %parallel_loop3A_129 = arith.constant 16 : i32
        %parallel_loop3A_130 = arith.muli %parallel_loop3A_98, %parallel_loop3A_129 : i32
        %parallel_loop3A_131 = arith.constant 3 : i32
        %parallel_loop3A_132 = arith.index_cast %parallel_loop3A_131 : i32 to index
        %parallel_loop3A_133 = arith.index_cast %parallel_loop3A_130 : i32 to index
        %parallel_loop3A_134 = tpu.vector_load %arg8[%parallel_loop3A_132, %parallel_loop3A_133] {strides = array<i32>} : memref<16x1024xf32, #tpu.memory_space<vmem>>, vector<16xf32>,
        tpu.vector_store_idx %arg10[%parallel_loop3A_128, %parallel_loop3A_102], %parallel_loop3A_134 : memref<16x1024xf32, #tpu.memory_space<vmem>>[vector<16xi32>, vector<16xi32>], vector<16xf32>,
        %parallel_loop3A_135 = arith.constant 4 : i32
        %parallel_loop3A_136 = vector.broadcast %parallel_loop3A_135 : i32 to vector<16xi32>
        %parallel_loop3A_137 = arith.constant 16 : i32
        %parallel_loop3A_138 = arith.muli %parallel_loop3A_98, %parallel_loop3A_137 : i32
        %parallel_loop3A_139 = arith.constant 4 : i32
        %parallel_loop3A_140 = arith.index_cast %parallel_loop3A_139 : i32 to index
        %parallel_loop3A_141 = arith.index_cast %parallel_loop3A_138 : i32 to index
        %parallel_loop3A_142 = tpu.vector_load %arg8[%parallel_loop3A_140, %parallel_loop3A_141] {strides = array<i32>} : memref<16x1024xf32, #tpu.memory_space<vmem>>, vector<16xf32>,
        tpu.vector_store_idx %arg10[%parallel_loop3A_136, %parallel_loop3A_102], %parallel_loop3A_142 : memref<16x1024xf32, #tpu.memory_space<vmem>>[vector<16xi32>, vector<16xi32>], vector<16xf32>,
        %parallel_loop3A_143 = arith.constant 5 : i32
        %parallel_loop3A_144 = vector.broadcast %parallel_loop3A_143 : i32 to vector<16xi32>
        %parallel_loop3A_145 = arith.constant 16 : i32
        %parallel_loop3A_146 = arith.muli %parallel_loop3A_98, %parallel_loop3A_145 : i32
        %parallel_loop3A_147 = arith.constant 5 : i32
        %parallel_loop3A_148 = arith.index_cast %parallel_loop3A_147 : i32 to index
        %parallel_loop3A_149 = arith.index_cast %parallel_loop3A_146 : i32 to index
        %parallel_loop3A_150 = tpu.vector_load %arg8[%parallel_loop3A_148, %parallel_loop3A_149] {strides = array<i32>} : memref<16x1024xf32, #tpu.memory_space<vmem>>, vector<16xf32>,
        tpu.vector_store_idx %arg10[%parallel_loop3A_144, %parallel_loop3A_102], %parallel_loop3A_150 : memref<16x1024xf32, #tpu.memory_space<vmem>>[vector<16xi32>, vector<16xi32>], vector<16xf32>,
        %parallel_loop3A_151 = arith.constant 6 : i32
        %parallel_loop3A_152 = vector.broadcast %parallel_loop3A_151 : i32 to vector<16xi32>
        %parallel_loop3A_153 = arith.constant 16 : i32
        %parallel_loop3A_154 = arith.muli %parallel_loop3A_98, %parallel_loop3A_153 : i32
        %parallel_loop3A_155 = arith.constant 6 : i32
        %parallel_loop3A_156 = arith.index_cast %parallel_loop3A_155 : i32 to index
        %parallel_loop3A_157 = arith.index_cast %parallel_loop3A_154 : i32 to index
        %parallel_loop3A_158 = tpu.vector_load %arg8[%parallel_loop3A_156, %parallel_loop3A_157] {strides = array<i32>} : memref<16x1024xf32, #tpu.memory_space<vmem>>, vector<16xf32>,
        tpu.vector_store_idx %arg10[%parallel_loop3A_152, %parallel_loop3A_102], %parallel_loop3A_158 : memref<16x1024xf32, #tpu.memory_space<vmem>>[vector<16xi32>, vector<16xi32>], vector<16xf32>,
        %parallel_loop3A_159 = arith.constant 7 : i32
        %parallel_loop3A_160 = vector.broadcast %parallel_loop3A_159 : i32 to vector<16xi32>
        %parallel_loop3A_161 = arith.constant 16 : i32
        %parallel_loop3A_162 = arith.muli %parallel_loop3A_98, %parallel_loop3A_161 : i32
        %parallel_loop3A_163 = arith.constant 7 : i32
        %parallel_loop3A_164 = arith.index_cast %parallel_loop3A_163 : i32 to index
        %parallel_loop3A_165 = arith.index_cast %parallel_loop3A_162 : i32 to index
        %parallel_loop3A_166 = tpu.vector_load %arg8[%parallel_loop3A_164, %parallel_loop3A_165] {strides = array<i32>} : memref<16x1024xf32, #tpu.memory_space<vmem>>, vector<16xf32>,
        tpu.vector_store_idx %arg10[%parallel_loop3A_160, %parallel_loop3A_102], %parallel_loop3A_166 : memref<16x1024xf32, #tpu.memory_space<vmem>>[vector<16xi32>, vector<16xi32>], vector<16xf32>,
        %parallel_loop3A_167 = arith.constant 8 : i32
        %parallel_loop3A_168 = vector.broadcast %parallel_loop3A_167 : i32 to vector<16xi32>
        %parallel_loop3A_169 = arith.constant 16 : i32
        %parallel_loop3A_170 = arith.muli %parallel_loop3A_98, %parallel_loop3A_169 : i32
        %parallel_loop3A_171 = arith.constant 8 : i32
        %parallel_loop3A_172 = arith.index_cast %parallel_loop3A_171 : i32 to index
        %parallel_loop3A_173 = arith.index_cast %parallel_loop3A_170 : i32 to index
        %parallel_loop3A_174 = tpu.vector_load %arg8[%parallel_loop3A_172, %parallel_loop3A_173] {strides = array<i32>} : memref<16x1024xf32, #tpu.memory_space<vmem>>, vector<16xf32>,
        tpu.vector_store_idx %arg10[%parallel_loop3A_168, %parallel_loop3A_102], %parallel_loop3A_174 : memref<16x1024xf32, #tpu.memory_space<vmem>>[vector<16xi32>, vector<16xi32>], vector<16xf32>,
        %parallel_loop3A_175 = arith.constant 9 : i32
        %parallel_loop3A_176 = vector.broadcast %parallel_loop3A_175 : i32 to vector<16xi32>
        %parallel_loop3A_177 = arith.constant 16 : i32
        %parallel_loop3A_178 = arith.muli %parallel_loop3A_98, %parallel_loop3A_177 : i32
        %parallel_loop3A_179 = arith.constant 9 : i32
        %parallel_loop3A_180 = arith.index_cast %parallel_loop3A_179 : i32 to index
        %parallel_loop3A_181 = arith.index_cast %parallel_loop3A_178 : i32 to index
        %parallel_loop3A_182 = tpu.vector_load %arg8[%parallel_loop3A_180, %parallel_loop3A_181] {strides = array<i32>} : memref<16x1024xf32, #tpu.memory_space<vmem>>, vector<16xf32>,
        tpu.vector_store_idx %arg10[%parallel_loop3A_176, %parallel_loop3A_102], %parallel_loop3A_182 : memref<16x1024xf32, #tpu.memory_space<vmem>>[vector<16xi32>, vector<16xi32>], vector<16xf32>,
        %parallel_loop3A_183 = arith.constant 10 : i32
        %parallel_loop3A_184 = vector.broadcast %parallel_loop3A_183 : i32 to vector<16xi32>
        %parallel_loop3A_185 = arith.constant 16 : i32
        %parallel_loop3A_186 = arith.muli %parallel_loop3A_98, %parallel_loop3A_185 : i32
        %parallel_loop3A_187 = arith.constant 10 : i32
        %parallel_loop3A_188 = arith.index_cast %parallel_loop3A_187 : i32 to index
        %parallel_loop3A_189 = arith.index_cast %parallel_loop3A_186 : i32 to index
        %parallel_loop3A_190 = tpu.vector_load %arg8[%parallel_loop3A_188, %parallel_loop3A_189] {strides = array<i32>} : memref<16x1024xf32, #tpu.memory_space<vmem>>, vector<16xf32>,
        tpu.vector_store_idx %arg10[%parallel_loop3A_184, %parallel_loop3A_102], %parallel_loop3A_190 : memref<16x1024xf32, #tpu.memory_space<vmem>>[vector<16xi32>, vector<16xi32>], vector<16xf32>,
        %parallel_loop3A_191 = arith.constant 11 : i32
        %parallel_loop3A_192 = vector.broadcast %parallel_loop3A_191 : i32 to vector<16xi32>
        %parallel_loop3A_193 = arith.constant 16 : i32
        %parallel_loop3A_194 = arith.muli %parallel_loop3A_98, %parallel_loop3A_193 : i32
        %parallel_loop3A_195 = arith.constant 11 : i32
        %parallel_loop3A_196 = arith.index_cast %parallel_loop3A_195 : i32 to index
        %parallel_loop3A_197 = arith.index_cast %parallel_loop3A_194 : i32 to index
        %parallel_loop3A_198 = tpu.vector_load %arg8[%parallel_loop3A_196, %parallel_loop3A_197] {strides = array<i32>} : memref<16x1024xf32, #tpu.memory_space<vmem>>, vector<16xf32>,
        tpu.vector_store_idx %arg10[%parallel_loop3A_192, %parallel_loop3A_102], %parallel_loop3A_198 : memref<16x1024xf32, #tpu.memory_space<vmem>>[vector<16xi32>, vector<16xi32>], vector<16xf32>,
        %parallel_loop3A_199 = arith.constant 12 : i32
        %parallel_loop3A_200 = vector.broadcast %parallel_loop3A_199 : i32 to vector<16xi32>
        %parallel_loop3A_201 = arith.constant 16 : i32
        %parallel_loop3A_202 = arith.muli %parallel_loop3A_98, %parallel_loop3A_201 : i32
        %parallel_loop3A_203 = arith.constant 12 : i32
        %parallel_loop3A_204 = arith.index_cast %parallel_loop3A_203 : i32 to index
        %parallel_loop3A_205 = arith.index_cast %parallel_loop3A_202 : i32 to index
        %parallel_loop3A_206 = tpu.vector_load %arg8[%parallel_loop3A_204, %parallel_loop3A_205] {strides = array<i32>} : memref<16x1024xf32, #tpu.memory_space<vmem>>, vector<16xf32>,
        tpu.vector_store_idx %arg10[%parallel_loop3A_200, %parallel_loop3A_102], %parallel_loop3A_206 : memref<16x1024xf32, #tpu.memory_space<vmem>>[vector<16xi32>, vector<16xi32>], vector<16xf32>,
        %parallel_loop3A_207 = arith.constant 13 : i32
        %parallel_loop3A_208 = vector.broadcast %parallel_loop3A_207 : i32 to vector<16xi32>
        %parallel_loop3A_209 = arith.constant 16 : i32
        %parallel_loop3A_210 = arith.muli %parallel_loop3A_98, %parallel_loop3A_209 : i32
        %parallel_loop3A_211 = arith.constant 13 : i32
        %parallel_loop3A_212 = arith.index_cast %parallel_loop3A_211 : i32 to index
        %parallel_loop3A_213 = arith.index_cast %parallel_loop3A_210 : i32 to index
        %parallel_loop3A_214 = tpu.vector_load %arg8[%parallel_loop3A_212, %parallel_loop3A_213] {strides = array<i32>} : memref<16x1024xf32, #tpu.memory_space<vmem>>, vector<16xf32>,
        tpu.vector_store_idx %arg10[%parallel_loop3A_208, %parallel_loop3A_102], %parallel_loop3A_214 : memref<16x1024xf32, #tpu.memory_space<vmem>>[vector<16xi32>, vector<16xi32>], vector<16xf32>,
        %parallel_loop3A_215 = arith.constant 14 : i32
        %parallel_loop3A_216 = vector.broadcast %parallel_loop3A_215 : i32 to vector<16xi32>
        %parallel_loop3A_217 = arith.constant 16 : i32
        %parallel_loop3A_218 = arith.muli %parallel_loop3A_98, %parallel_loop3A_217 : i32
        %parallel_loop3A_219 = arith.constant 14 : i32
        %parallel_loop3A_220 = arith.index_cast %parallel_loop3A_219 : i32 to index
        %parallel_loop3A_221 = arith.index_cast %parallel_loop3A_218 : i32 to index
        %parallel_loop3A_222 = tpu.vector_load %arg8[%parallel_loop3A_220, %parallel_loop3A_221] {strides = array<i32>} : memref<16x1024xf32, #tpu.memory_space<vmem>>, vector<16xf32>,
        tpu.vector_store_idx %arg10[%parallel_loop3A_216, %parallel_loop3A_102], %parallel_loop3A_222 : memref<16x1024xf32, #tpu.memory_space<vmem>>[vector<16xi32>, vector<16xi32>], vector<16xf32>,
        %parallel_loop3A_223 = arith.constant 15 : i32
        %parallel_loop3A_224 = vector.broadcast %parallel_loop3A_223 : i32 to vector<16xi32>
        %parallel_loop3A_225 = arith.constant 16 : i32
        %parallel_loop3A_226 = arith.muli %parallel_loop3A_98, %parallel_loop3A_225 : i32
        %parallel_loop3A_227 = arith.constant 15 : i32
        %parallel_loop3A_228 = arith.index_cast %parallel_loop3A_227 : i32 to index
        %parallel_loop3A_229 = arith.index_cast %parallel_loop3A_226 : i32 to index
        %parallel_loop3A_230 = tpu.vector_load %arg8[%parallel_loop3A_228, %parallel_loop3A_229] {strides = array<i32>} : memref<16x1024xf32, #tpu.memory_space<vmem>>, vector<16xf32>,
        tpu.vector_store_idx %arg10[%parallel_loop3A_224, %parallel_loop3A_102], %parallel_loop3A_230 : memref<16x1024xf32, #tpu.memory_space<vmem>>[vector<16xi32>, vector<16xi32>], vector<16xf32>,
      } {sc.loop_unroll_factor = 1 : i64, sc.parallel_access}
      %mul3A_83 = arith.constant 16 : i32
      %mul3A_84 = arith.muli %add3A_67, %mul3A_83 : i32
      %add3A_85 = arith.addi %mul3A_4, %mul3A_84 : i32
      %dma_start3A_86 = arith.constant 0 : i32
      %dma_start3A_87 = tpu.memref_slice %arg4[%add3A_85, %dma_start3A_86] : memref<32768x1024xf32, #tpu.memory_space<hbm>> -> memref<16x1024xf32, #tpu.memory_space<hbm>>
      %dma_start3A_88 = arith.constant 0 : i32
      %dma_start3A_89 = tpu.memref_slice %arg4[%add3A_85, %dma_start3A_88] : memref<32768x1024xf32, #tpu.memory_space<hbm>> -> memref<16x1024xf32, #tpu.memory_space<hbm>>
      tpu.enqueue_dma source(%arg10 : memref<16x1024xf32, #tpu.memory_space<vmem>>) target(%dma_start3A_89 : memref<16x1024xf32, #tpu.memory_space<hbm>>) target_semaphore(%arg14 : memref<!tpu.dma_semaphore, #tpu.memory_space<semaphore_mem>>)
      %add3A_90 = arith.constant 2 : i32
      %add3A_91 = arith.addi %add3A_67, %add3A_90 : i32
      %lt3A_92 = arith.constant 64 : i32
      %lt3A_93 = arith.cmpi slt, %add3A_91, %lt3A_92 : i32
      %convert_element_type3A_94 = arith.extui %lt3A_93 : i1 to i32
      %cond3A_95 = arith.constant 0 : i32
      %cond3A_96 = arith.cmpi ne, %convert_element_type3A_94, %cond3A_95 : i32
      scf.if %cond3A_96 {
        %add3A_98 = arith.constant 2 : i32
        %add3A_99 = arith.addi %add3A_67, %add3A_98 : i32
        %mul3A_100 = arith.constant 16 : i32
        %mul3A_101 = arith.muli %add3A_99, %mul3A_100 : i32
        %add3A_102 = arith.addi %mul3A_4, %mul3A_101 : i32
        %dma_start3A_103 = arith.constant 0 : i32
        %dma_start3A_104 = tpu.memref_slice %arg2[%add3A_102, %dma_start3A_103] : memref<32768x1024xf32, #tpu.memory_space<hbm>> -> memref<16x1024xf32, #tpu.memory_space<hbm>>
        %dma_start3A_105 = arith.constant 0 : i32
        %dma_start3A_106 = tpu.memref_slice %arg2[%add3A_102, %dma_start3A_105] : memref<32768x1024xf32, #tpu.memory_space<hbm>> -> memref<16x1024xf32, #tpu.memory_space<hbm>>
        tpu.enqueue_dma source(%dma_start3A_106 : memref<16x1024xf32, #tpu.memory_space<hbm>>) target(%arg8 : memref<16x1024xf32, #tpu.memory_space<vmem>>) target_semaphore(%arg12 : memref<!tpu.dma_semaphore, #tpu.memory_space<semaphore_mem>>)
      } else {
      }
      %scan3A_97 = arith.constant 0 : i32
      scf.yield %scan3A_97 : i32
    }
    %scan3A_21 = arith.constant 32 : i32
    %add3A_22 = arith.constant 992 : i32
    %add3A_23 = arith.addi %mul3A_4, %add3A_22 : i32
    %dma_wait3A = arith.constant 0 : i32
    %dma_wait3A_24 = tpu.memref_slice %arg4[%add3A_23, %dma_wait3A] : memref<32768x1024xf32, #tpu.memory_space<hbm>> -> memref<16x1024xf32, #tpu.memory_space<hbm>>
    %dma_wait3A_25 = arith.constant 0 : i32
    %dma_wait3A_26 = tpu.memref_slice %arg4[%add3A_23, %dma_wait3A_25] : memref<32768x1024xf32, #tpu.memory_space<hbm>> -> memref<16x1024xf32, #tpu.memory_space<hbm>>
    tpu.wait_dma2 semaphore(%arg13 : memref<!tpu.dma_semaphore, #tpu.memory_space<semaphore_mem>>) src(%arg9 : memref<16x1024xf32, #tpu.memory_space<vmem>>) dst(%dma_wait3A_26 : memref<16x1024xf32, #tpu.memory_space<hbm>>)
    %add3A_27 = arith.constant 1008 : i32
    %add3A_28 = arith.addi %mul3A_4, %add3A_27 : i32
    %dma_wait3A_29 = arith.constant 0 : i32
    %dma_wait3A_30 = tpu.memref_slice %arg4[%add3A_28, %dma_wait3A_29] : memref<32768x1024xf32, #tpu.memory_space<hbm>> -> memref<16x1024xf32, #tpu.memory_space<hbm>>
    %dma_wait3A_31 = arith.constant 0 : i32
    %dma_wait3A_32 = tpu.memref_slice %arg4[%add3A_28, %dma_wait3A_31] : memref<32768x1024xf32, #tpu.memory_space<hbm>> -> memref<16x1024xf32, #tpu.memory_space<hbm>>
    tpu.wait_dma2 semaphore(%arg14 : memref<!tpu.dma_semaphore, #tpu.memory_space<semaphore_mem>>) src(%arg10 : memref<16x1024xf32, #tpu.memory_space<vmem>>) dst(%dma_wait3A_32 : memref<16x1024xf32, #tpu.memory_space<hbm>>)
    return
  }
}

</mosaic_0001>

<sc_bundles>
// kernel: _permute.3.cloned.1.call-start
scs
__scs_entry_jumppad:
0x0: {  	(pc) =	sbr.rel $0x88, $3  }
0x1: {  	(tag) =	ssettag $0x0;
	lr =	simm.s32 $0x1  }
0x2: {  	[smem:$0x3F9F] =	sst lr;
	_ =	strace $0xD0000000  }
0x3: {  	_ = 	snop  }
0x4: {  	_ = 	snop  }
0x5: {  	_ = 	snop  }
0x6: {  	_ = 	snop  }
0x7: {  	_ = 	snop  }
__scs_overlays_trampoline_lowered:
0x8: {  	[smem:$0x3FAE] =	sst s0  }
0x9: {  	[smem:$0x3FAF] =	sst s1  }
0xa: {  	[smem:$0x3FB0] =	sst s2  }
0xb: {  	[smem:$0x3FB1] =	sst s3  }
0xc: {  	[smem:$0x3FB2] =	sst s4  }
0xd: {  	[smem:$0x3FB3] =	sst s5  }
0xe: {  	[smem:$0x3FB4] =	sst s6  }
0xf: {  	[smem:$0x3FB5] =	sst s7  }
0x10: {  	[smem:$0x3FB6] =	sst s8  }
0x11: {  	[smem:$0x3FB7] =	sst s9;
	s0 =	simm.s32 @!p0 $0x0  }
0x12: {  	s1 =	sld [smem:$0x3F9D];
	s0 =	simm.s32 @p0 $0x1  }
0x13: {  	[smem:$0x3FB8] =	sst s0;
	s0 =	simm.s32 @!p1 $0x0  }
0x14: {  	s2 =	sld [smem:$0x3F9C];
	s0 =	simm.s32 @p1 $0x1  }
0x15: {  	[smem:$0x3FB9] =	sst s0;
	s0 =	simm.s32 @!p2 $0x0  }
0x16: {  	s3 =	sld [smem:$0x3FDB];
	s0 =	simm.s32 @p2 $0x1  }
0x17: {  	s4 =	simm.s32 $0x1BF5;
	[smem:$0x3FBB] =	sst s0  }
0x18: {  	s0 =	sld [smem:$0x3F9E];
	_ =	swait.ge [sflag:s4], $0x0  }
0x19: {  	s7 =	sld [smem:$0x3F9F]  }
0x1a: {  	s8 =	sadd.s32 $0xFFFFE003, lr  }
0x1b: {  	s9 =	sadd.s32 $0xFFFFFEF7, lr;
	s5 =	simm.s32 $0xFFFFFFFF;
	p2 =	slt.u32 s8, $0xFFFFF086  }
0x1c: {  	p1 =	slt.u32 s9, $0xF7A;
	s5 =	simm.s32 @!p2 $0x0  }
0x1d: {  	s5 =	simm.s32 @p1 $0x1;
	p0 =	seq.s32 s7, s2  }
0x1e: {  	s7 =	smul.u32 @!p0 $0xF7A, s2;
	p2 =	seq.s32 @!p0 s5, $0x0  }
0x1f: {  	s9 =	smul.u32 $0xF7A, s1;
	s8 =	simm.s32 @!p0 $0x1BF5;
	p2 =	por !p2, p0  }
0x20: {  	[sflag:s8] =	ssyncset.s32 @!p0 $0xFFFFF086;
	s6 =	sadd.s32 @!p0 s3, s7;
	s7 =	simm.s32 @!p0 $0x108  }
0x21: {  	s3 =	sadd.s32 s3, s9;
	s6 =	sadd.s32 @!p0 $0x88, s6;
	s7 =	simm.s32 @p2 $0x1082  }
0x22: {  	[simem:s7], [sflag:s8] =	dma.local @!p0 [hbm:s6], $0xF7A  }
0x23: {  	s9 =	sor.u32 $0xD0000000, s2;
	s6 =	simm.s32 $0x108;
	_ =	swait.ge @!p0 [sflag:s8], $0x0  }
0x24: {  	s3 =	sadd.s32 $0x88, s3;
	s6 =	simm.s32 @!p1 $0x1082;
	[sflag:s4] =	ssyncset.s32 $0xFFFFF086  }
0x25: {  	[simem:s6], [sflag:s4] =	dma.local [hbm:s3], $0xF7A  }
0x26: {  	[smem:$0x3F9F] =	sst s1;
	(tag) =	ssettag s2;
	_ =	strace s9  }
0x27: {  	s1 =	sld [smem:$0x3FAF]  }
0x28: {  	s2 =	sld [smem:$0x3FB0]  }
0x29: {  	s4 =	sld [smem:$0x3FB2]  }
0x2a: {  	p0 =	seq.s32 s5, $0x0;
	s5 =	sld [smem:$0x3FB3]  }
0x2b: {  	s6 =	sld [smem:$0x3FB4]  }
0x2c: {  	s7 =	sld [smem:$0x3FB5]  }
0x2d: {  	s3 =	simm.s32 $0x108;
	s8 =	sld [smem:$0x3FB6]  }
0x2e: {  	s3 =	simm.s32 @!p0 $0x1082;
	s9 =	sld [smem:$0x3FB7]  }
0x2f: {  	lr =	sadd.s32 s0, s3;
	s0 =	sld [smem:$0x3FAE]  }
0x30: {  	s3 =	sld [smem:$0x3FB1]  }
0x31: {  	[smem:$0x3FBA] =	sst s10  }
0x32: {  	s10 =	sld [smem:$0x3FB8];
	_ =	sdelay $0x3  }
0x33: {  	p0 =	seq.s32 s10, $0x1;
	s10 =	sld [smem:$0x3FBA];
	_ =	sdelay $0x3  }
0x34: {  	[smem:$0x3FBA] =	sst s10  }
0x35: {  	s10 =	sld [smem:$0x3FB9];
	_ =	sdelay $0x3  }
0x36: {  	p1 =	seq.s32 s10, $0x1;
	s10 =	sld [smem:$0x3FBA];
	_ =	sdelay $0x3  }
0x37: {  	[smem:$0x3FBA] =	sst s10  }
0x38: {  	s10 =	sld [smem:$0x3FBB]  }
0x39: {  	_ = 	snop;
	(pc) =	sbr.ind lr, $3  }
0x3a: {  	_ = 	snop  }
0x3b: {  	_ = 	snop  }
0x3c: {  	p2 =	seq.s32 s10, $0x1;
	s10 =	sld [smem:$0x3FBA]  }
0x3d: {  	_ =	shalt  }
0x3e: {  	_ =	shalt  }
0x3f: {  	_ =	shalt  }
0x40: {  	_ =	shalt  }
0x41: {  	_ =	shalt  }
0x42: {  	_ =	shalt  }
0x43: {  	_ =	shalt  }
0x44: {  	_ =	shalt  }
0x45: {  	_ =	shalt  }
0x46: {  	_ =	shalt  }
0x47: {  	_ =	shalt  }
0x48: {  	_ =	shalt  }
0x49: {  	_ =	shalt  }
0x4a: {  	_ =	shalt  }
0x4b: {  	_ =	shalt  }
0x4c: {  	_ =	shalt  }
0x4d: {  	_ =	shalt  }
0x4e: {  	_ =	shalt  }
0x4f: {  	_ =	shalt  }
0x50: {  	_ =	shalt  }
0x51: {  	_ =	shalt  }
0x52: {  	_ =	shalt  }
0x53: {  	_ =	shalt  }
0x54: {  	_ =	shalt  }
0x55: {  	_ =	shalt  }
0x56: {  	_ =	shalt  }
0x57: {  	_ =	shalt  }
0x58: {  	_ =	shalt  }
0x59: {  	_ =	shalt  }
0x5a: {  	_ =	shalt  }
0x5b: {  	_ =	shalt  }
0x5c: {  	_ =	shalt  }
0x5d: {  	_ =	shalt  }
0x5e: {  	_ =	shalt  }
0x5f: {  	_ =	shalt  }
0x60: {  	_ =	shalt  }
0x61: {  	_ =	shalt  }
0x62: {  	_ =	shalt  }
0x63: {  	_ =	shalt  }
0x64: {  	_ =	shalt  }
0x65: {  	_ =	shalt  }
0x66: {  	_ =	shalt  }
0x67: {  	_ =	shalt  }
0x68: {  	_ =	shalt  }
0x69: {  	_ =	shalt  }
0x6a: {  	_ =	shalt  }
0x6b: {  	_ =	shalt  }
0x6c: {  	_ =	shalt  }
0x6d: {  	_ =	shalt  }
0x6e: {  	_ =	shalt  }
0x6f: {  	_ =	shalt  }
0x70: {  	_ =	shalt  }
0x71: {  	_ =	shalt  }
0x72: {  	_ =	shalt  }
0x73: {  	_ =	shalt  }
0x74: {  	_ =	shalt  }
0x75: {  	_ =	shalt  }
0x76: {  	_ =	shalt  }
0x77: {  	_ =	shalt  }
0x78: {  	_ =	shalt  }
0x79: {  	_ =	shalt  }
0x7a: {  	_ =	shalt  }
0x7b: {  	_ =	shalt  }
0x7c: {  	_ =	shalt  }
0x7d: {  	_ =	shalt  }
0x7e: {  	_ =	shalt  }
0x7f: {  	_ =	shalt  }
0x80: {  	_ =	shalt  }
0x81: {  	_ =	shalt  }
0x82: {  	_ =	shalt  }
0x83: {  	_ =	shalt  }
0x84: {  	_ =	shalt  }
0x85: {  	_ =	shalt  }
0x86: {  	_ =	shalt  }
0x87: {  	_ =	shalt  }
.Lfunc_end0:
.L_simem_size_0:
called_computation_lowered:
.L_overlay_start_0:
0x88: {  	s2 =	sld [smem:$0x3FD9]  }
0x89: {  	s3 =	sld [smem:$0x3FFE];
	_ =	sdelay $0x1  }
0x8a: {  	s1 =	srdreg.scid  }
0x8b: {  	s0 =	sand.u32 $0x1, s1  }
0x8c: {  	s18 =	sshll.u32 s0, $0xA;
	s2 =	sadd.s32 s3, s2  }
0x8d: {  	s2 =	sadd.s32 s2, s18  }
0x8e: {  	[smem:$0x3FC6] =	sst s2  }
0x8f: {  	_ = 	snop  }
0x90: {  	s2 =	sld [smem:$0x3FC9]  }
0x91: {  	s19 =	sld [smem:$0x3FC8]  }
0x92: {  	s4 =	sld [smem:$0x3FD0];
	(tm) =	ssettm $0x1  }
0x93: {  	s5 =	sld [smem:$0x3FFB];
	_ =	sdelay $0x3  }
0x94: {  	_ =	strace s5  }
0x95: {  	s5 =	sld [smem:$0x3FFC];
	_ =	sdelay $0x3  }
0x96: {  	_ =	strace s5  }
0x97: {  	s5 =	sld [smem:$0x3FFD];
	_ =	sdelay $0x3  }
0x98: {  	_ =	strace s5  }
0x99: {  	_ =	strace $0x8FFFFFFF  }
0x9a: {  	s20 =	sld [smem:$0x3FDB];
	_ =	sdelay $0x1  }
0x9b: {  	s6 =	simm.s32 $_scs_section_size  }
0x9c: {  	s7 =	simm.s32 $_size__tile_overlayer_lowered;
	s8 =	simm.s32 $_tile_overlayer_lowered  }
0x9d: {  	s23 =	simm.s32 $0x1BFF;
	s22 =	sshll.u32 s8, $0x1;
	s5 =	sadd.s32 s6, s20  }
0x9e: {  	s9 =	simm.s32 $0x0;
	s21 =	sshll.u32 s7, $0x1;
	s7 =	sadd.s32 s22, s5  }
0x9f: {  	[timem:s9], [sflag:s23] =	dma.local [hbm:s7], s21  }
0xa0: {  	_ =	swait.ge [sflag:s23], s21  }
0xa1: {  	s6 =	ssub.s32 $0x0, s21;
	[sflag:s23] =	ssyncset.done $0x0  }
0xa2: {  	[sflag:s23] =	ssyncadd.s32 s6;
	_ =	sdelay $0x1  }
0xa3: {  	s24 =	simm.s32 $0x1B8B  }
0xa4: {  	_ =	swait.ge [sflag:s24], $0x1  }
0xa5: {  	[sflag:s24] =	ssyncset.done $0x0  }
0xa6: {  	s25 =	simm.s32 $0x1B8E;
	[sflag:s24] =	ssyncadd.s32 $0xFFFFFFFF  }
0xa7: {  	s26 =	simm.s32 $execute0_lowered;
	[smem:$0x3FD2] =	sst s25  }
0xa8: {  	s6 =	sshll.u32 s26, $0x1;
	_ =	strace $0x80000046;
	[dreg:$0x1] =	wrdreg $0xFFFFFFFF  }
0xa9: {  	s28 =	simm.s32 $_size_execute0_lowered;
	s5 =	sadd.s32 s5, s6;
	[dreg:$0x0] =	wrdreg $0x0  }
0xaa: {  	s6 =	sshll.u32 s28, $0x1;
	[dreg:$0x2] =	wrdreg s5  }
0xab: {  	[dreg:$0x3] =	wrdreg s6  }
0xac: {  	[dreg:$0x4] =	wrdreg $0xC0  }
0xad: {  	_ =	task [dreg:s9], $0x5FFFF  }
0xae: {  	[dreg:$0x1] =	wrdreg $0xFFFFFFFF  }
0xaf: {  	[dreg:$0x0] =	wrdreg $0x60  }
0xb0: {  	[dreg:$0x2] =	wrdreg s2  }
0xb1: {  	[dreg:$0x3] =	wrdreg s19  }
0xb2: {  	[dreg:$0x4] =	wrdreg s4  }
0xb3: {  	[dreg:$0x5] =	wrdreg $0x9  }
0xb4: {  	_ =	task.clear_ibuf [dreg:s9], $0x6FFFF;
	_ =	strace $0x90000046  }
0xb5: {  	s29 =	simm.s32 $0x9;
	_ =	strace $0x80000048  }
0xb6: {  	_ =	swait.ge [sflag:s29], $0x1  }
0xb7: {  	[sflag:s29] =	ssyncadd.s32 $0xFFFFFFFF  }
0xb8: {  	_ =	strace $0x90000048  }
0xb9: {  	_ =	sfence  }
0xba: {  	s30 =	sld [smem:$0x0];
	_ =	sdelay $0x2  }
0xbb: {  	s31 =	sshll.u32 s1, $0xD;
	s1 =	sshrl.u32 s1, $0x2  }
0xbc: {  	s3 =	sand.u32 $0x4000, s31;
	s1 =	sadd.s32 s1, s30  }
0xbd: {  	s0 =	sor.u32 s3, s0;
	s1 =	sshll.u32 s1, $0x11  }
0xbe: {  	s0 =	sor.u32 s1, s0  }
0xbf: {  	s0 =	sadd.s32 $0x8F2B, s0  }
0xc0: {  	[sflag:s0] =	ssyncadd.remote.s32 $0x1  }
0xc1: {  	_ =	sfence.sel $0xFFFF  }
0xc2: {  	[dreg:$0x0] =	wrdreg $0xFFFFFFFF;
	(pc) =	sbr.abs _section_cstart, $3  }
0xc3: {  	[dreg:$0x1] =	wrdreg $0xFFFFFFFF  }
0xc4: {  	_ =	task.clear_ibuf [dreg:s9], $0x2FFFF;
	_ =	strace $0x9FFFFFFF  }
0xc5: {  	(tm) =	ssettm $0x7FFFFFFF  }
tec
execute0_lowered:
.L_overlay_start_1:
0x0: {  	(tag) =	ssettag $0x1  }
0x1: {  	s0 =	rddreg [dreg:$0x0]  }
0x2: {  	s1 =	rddreg [dreg:$0x2]  }
0x3: {  	s2 =	srdreg.scid;
	s4 =	stileid.u32;
	s3 =	simm.s32 $0x0  }
0x4: {  	s12 =	simm.s32 $0x400;
	s13 =	simm.s32 $0x800;
	s14 =	simm.s32 $0x4800  }
0x5: {  	s15 =	simm.s32 $0x1;
	s16 =	simm.s32 $0x8800;
	s17 =	simm.s32 $0x2  }
0x6: {  	s18 =	simm.s32 $0x4;
	s19 =	simm.s32 $0xC800;
	s22 =	simm.s32 $0x0  }
0x7: {  	s2 =	sand.u32 $0x1, s2;
	s4 =	sshll.u32 s4, $0x12;
	[smem:$0x7FF] =	sst s3  }
0x8: {  	s5 =	sshll.u32 s2, $0x11;
	s2 =	ssub.s32 $0x2, s2;
	_ =	strace $0x80000047  }
.Ltmp0:
0x9: {  	s4 =	sor.u32 s5, s4;
	s29 =	sshrl.u32 s2, $0x1;
	(pc) =	sbr.rel .LBB2_1-.Ltmp0, $4  }
0xa: {  	s8 =	sadd.s32 s0, s4;
	s30 =	ssub.s32 s2, s29;
	s6 =	sadd.s32 s1, s4  }
0xb: {  	s1 =	simm.s32 $0x0;
	s31 =	sadd.s32 $0x800, s8;
	[dreg:$0x4] =	wrdreg s8  }
0xc: {  	s7 =	sadd.s32 $0x1000, s8;
	s0 =	smax.u32 s30, $0x1;
	[dreg:$0x5] =	wrdreg s31  }
0xd: {  	v0 =	vlaneseq.u32;
	s8 =	sadd.s32 $0x1800, s8;
	s10 =	sadd.s32 $0x800, s6;
	[dreg:$0x6] =	wrdreg s0  }
.LBB2_14:
0xe: {  	s0 =	simm.s32 $0x3  }
0xf: {  	_ =	swait.ge [sflag:s0], $0x4000  }
0x10: {  	[sflag:s0] =	ssyncset.done $0x0  }
0x11: {  	[sflag:s0] =	ssyncadd.s32 $0xFFFFC000  }
0x12: {  	_ =	swait.ge [sflag:s18], $0x4000  }
0x13: {  	s1 =	rddreg [dreg:$0x7]  }
0x14: {  	s31 =	rddreg [dreg:$0x6];
	s1 =	sadd.s32 $0x1, s1  }
0x15: {  	p0 =	sne.s32 s1, s31  }
.Ltmp1:
0x16: {  	_ = 	snop;
	(pc) =	sbr.rel @!p0 .LBB2_15-.Ltmp1, $3  }
0x17: {  	_ =	sdelay $0x1  }
0x18: {  	[sflag:s18] =	ssyncset.done $0x0  }
0x19: {  	[sflag:s18] =	ssyncadd.s32 $0xFFFFC000  }
.LBB2_1:
0x1a: {  	[dreg:$0x7] =	wrdreg s1  }
0x1b: {  	s0 =	rddreg [dreg:$0x1];
	s31 =	simm.s32 $0x5  }
0x1c: {  	[tilespmem:s3], [sflag:$0x5] =	stream.linear.gather [hbm4b:s0+s3], $0x400, $0x38;
	[tilespmem:$0x10800] =	vst v63  }
0x1d: {  	_ =	swait.ge [sflag:s31], $0x400  }
0x1e: {  	[sflag:s31] =	ssyncset.done $0x0  }
0x1f: {  	[sflag:s31] =	ssyncadd.s32 $0xFFFFFC00  }
0x20: {  	s1 =	simm.s32 $0x0;
	s2 =	simm.s32 $0x0;
	s0 =	simm.s32 $0x10;
	v1 =	vld [tilespmem:s3+$0x0]  }
.LBB2_2:
0x21: {  	p0 =	sne.s32 s0, $0x3F0;
	_ =	sdelay $0x2  }
.Ltmp2:
0x22: {  	(pc) =	sbr.rel @p0 .LBB2_2-.Ltmp2, $3  }
0x23: {  	_ =	sdelay $0x1  }
0x24: {  	v2 =	vor.u32 s1, v0;
	s2 =	sadd.s32 $0x10, s2;
	s1 =	smov.u32 s0  }
0x25: {  	s0 =	sadd.s32 $0x10, s0;
	[tilespmem:v1+s12+$0x0] =	vst.idx.msk $0xffff, v2;
	v1 =	vld [tilespmem:s2+$0x0]  }
0x26: {  	_ =	sdelay $0x6  }
0x27: {  	v2 =	vor.u32 s1, v0  }
0x28: {  	[tilespmem:v1+s12+$0x0] =	vst.idx.msk $0xffff, v2  }
0x29: {  	s0 =	rddreg [dreg:$0x4]  }
0x2a: {  	[tilespmem:s13], [sflag:$0x1] =	stream.linear.gather [hbm4b:s0+s22], $0x4000, $0x38;
	[tilespmem:$0x10800] =	vst v63  }
0x2b: {  	s23 =	simm.s32 $0x0;
	s31 =	rddreg [dreg:$0x5]  }
0x2c: {  	[tilespmem:s14], [sflag:$0x2] =	stream.linear.gather [hbm4b:s31+s22], $0x4000, $0x38;
	[tilespmem:$0x10800] =	vst v63  }
.LBB2_4:
0x2d: {  	_ =	swait.ge [sflag:s15], $0x4000  }
0x2e: {  	p0 =	seq.s32 s23, $0x0;
	[sflag:s15] =	ssyncset.done $0x0  }
0x2f: {  	s0 =	simm.s32 @!p0 $0x3;
	[sflag:s15] =	ssyncadd.s32 $0xFFFFC000  }
0x30: {  	_ =	swait.ge @!p0 [sflag:s0], $0x4000  }
0x31: {  	[sflag:s0] =	ssyncset.done @!p0 $0x0  }
0x32: {  	s9 =	simm.s32 $0x400;
	[sflag:s0] =	ssyncadd.s32 @!p0 $0xFFFFC000  }
0x33: {  	v1 =	vld [tilespmem:s9+$0x0];
	_ =	sdelay $0x4  }
0x34: {  	s11 =	sand.u32 $0x70, s22;
	s1 =	sand.u32 $0x1C00, s22;
	v2 =	vshll.u32 v1, $0x3  }
0x35: {  	s25 =	sor.u32 s11, s1;
	v1 =	vand.u32 $0x7F, v1;
	v2 =	vand.u32 $0xFFFFFC00, v2  }
0x36: {  	v3 =	vld [tilespmem:s25+$0x800];
	v1 =	vor.u32 v1, v2;
	_ =	sdelay $0x4  }
0x37: {  	[tilespmem:v1+s16+$0x0] =	vst.idx.msk $0xffff, v3  }
0x38: {  	v3 =	vor.u32 $0x80, v1;
	v2 =	vld [tilespmem:s25+$0x880];
	_ =	sdelay $0x1  }
0x39: {  	s20 =	simm.s32 $0x410  }
0x3a: {  	v4 =	vld [tilespmem:s20+$0x0];
	_ =	sdelay $0x1  }
0x3b: {  	[tilespmem:v3+s16+$0x0] =	vst.idx.msk $0xffff, v2  }
0x3c: {  	v5 =	vor.u32 $0x100, v1;
	v3 =	vld [tilespmem:s25+$0x900]  }
0x3d: {  	s2 =	simm.s32 $0x80;
	s1 =	simm.s32 $0x10  }
0x3e: {  	s4 =	sand.u32 $0x1C00, s2;
	s21 =	sand.u32 $0x70, s1;
	v2 =	vshll.u32 v4, $0x3  }
0x3f: {  	s26 =	sor.u32 s21, s4;
	v4 =	vand.u32 $0x7F, v4;
	v2 =	vand.u32 $0xFFFFFC00, v2  }
0x40: {  	v6 =	vld [tilespmem:s26+$0x800];
	v2 =	vor.u32 v4, v2  }
0x41: {  	[tilespmem:v5+s16+$0x0] =	vst.idx.msk $0xffff, v3  }
0x42: {  	v4 =	vor.u32 $0x180, v1;
	v3 =	vld [tilespmem:s25+$0x980];
	_ =	sdelay $0x2  }
0x43: {  	[tilespmem:v2+s16+$0x0] =	vst.idx.msk $0xffff, v6  }
0x44: {  	v6 =	vor.u32 $0x80, v2;
	v5 =	vld [tilespmem:s26+$0x880]  }
0x45: {  	[tilespmem:v4+s16+$0x0] =	vst.idx.msk $0xffff, v3  }
0x46: {  	v4 =	vor.u32 $0x200, v1;
	v3 =	vld [tilespmem:s25+$0xA00]  }
0x47: {  	s24 =	simm.s32 $0x420  }
0x48: {  	v7 =	vld [tilespmem:s24+$0x0]  }
0x49: {  	[tilespmem:v6+s16+$0x0] =	vst.idx.msk $0xffff, v5  }
0x4a: {  	v6 =	vor.u32 $0x100, v2;
	v5 =	vld [tilespmem:s26+$0x900]  }
0x4b: {  	[tilespmem:v4+s16+$0x0] =	vst.idx.msk $0xffff, v3  }
0x4c: {  	s5 =	simm.s32 $0x20;
	s9 =	simm.s32 $0x100;
	v8 =	vor.u32 $0x280, v1;
	v4 =	vld [tilespmem:s25+$0xA80]  }
0x4d: {  	s4 =	sand.u32 $0x70, s5;
	s11 =	sand.u32 $0x1C00, s9;
	v3 =	vshll.u32 v7, $0x3  }
0x4e: {  	s28 =	sor.u32 s4, s11;
	v7 =	vand.u32 $0x7F, v7;
	v3 =	vand.u32 $0xFFFFFC00, v3  }
0x4f: {  	v9 =	vld [tilespmem:s28+$0x800];
	[tilespmem:v6+s16+$0x0] =	vst.idx.msk $0xffff, v5;
	v3 =	vor.u32 v7, v3  }
0x50: {  	v6 =	vor.u32 $0x180, v2;
	v5 =	vld [tilespmem:s26+$0x980]  }
0x51: {  	[tilespmem:v8+s16+$0x0] =	vst.idx.msk $0xffff, v4  }
0x52: {  	v7 =	vor.u32 $0x300, v1;
	v4 =	vld [tilespmem:s25+$0xB00];
	_ =	sdelay $0x1  }
0x53: {  	[tilespmem:v3+s16+$0x0] =	vst.idx.msk $0xffff, v9  }
0x54: {  	v9 =	vor.u32 $0x80, v3;
	[tilespmem:v6+s16+$0x0] =	vst.idx.msk $0xffff, v5;
	v8 =	vld [tilespmem:s28+$0x880]  }
0x55: {  	s20 =	sor.u32 s22, s22;
	v6 =	vor.u32 $0x200, v2;
	v5 =	vld [tilespmem:s26+$0xA00]  }
0x56: {  	s0 =	sor.u32 $0x380, s20;
	[tilespmem:v7+s16+$0x0] =	vst.idx.msk $0xffff, v4  }
0x57: {  	s21 =	simm.s32 $0x430;
	v7 =	vor.u32 $0x380, v1;
	v4 =	vld [tilespmem:s0+$0x800]  }
0x58: {  	v10 =	vld [tilespmem:s21+$0x0]  }
0x59: {  	[tilespmem:v9+s16+$0x0] =	vst.idx.msk $0xffff, v8  }
0x5a: {  	v9 =	vor.u32 $0x100, v3;
	[tilespmem:v6+s16+$0x0] =	vst.idx.msk $0xffff, v5;
	v8 =	vld [tilespmem:s28+$0x900]  }
0x5b: {  	v6 =	vor.u32 $0x280, v2;
	v5 =	vld [tilespmem:s26+$0xA80]  }
0x5c: {  	s31 =	simm.s32 $0x180;
	s0 =	simm.s32 $0x30;
	[tilespmem:v7+s16+$0x0] =	vst.idx.msk $0xffff, v4  }
0x5d: {  	s11 =	sand.u32 $0x1C00, s31;
	v11 =	vadd.s32 $0x2000, v1;
	s24 =	sand.u32 $0x70, s0;
	v4 =	vshll.u32 v10, $0x3;
	v7 =	vld [tilespmem:s25+$0x2800]  }
0x5e: {  	s29 =	sor.u32 s24, s11;
	v10 =	vand.u32 $0x7F, v10;
	v4 =	vand.u32 $0xFFFFFC00, v4  }
0x5f: {  	v12 =	vld [tilespmem:s29+$0x800];
	[tilespmem:v9+s16+$0x0] =	vst.idx.msk $0xffff, v8;
	v4 =	vor.u32 v10, v4  }
0x60: {  	v9 =	vor.u32 $0x180, v3;
	[tilespmem:v6+s16+$0x0] =	vst.idx.msk $0xffff, v5;
	v8 =	vld [tilespmem:s28+$0x980]  }
0x61: {  	v6 =	vor.u32 $0x300, v2;
	v5 =	vld [tilespmem:s26+$0xB00]  }
0x62: {  	[tilespmem:v11+s16+$0x0] =	vst.idx.msk $0xffff, v7  }
0x63: {  	v10 =	vadd.s32 $0x2080, v1;
	v7 =	vld [tilespmem:s25+$0x2880]  }
0x64: {  	[tilespmem:v4+s16+$0x0] =	vst.idx.msk $0xffff, v12  }
0x65: {  	s1 =	sor.u32 s2, s1;
	v12 =	vor.u32 $0x80, v4;
	[tilespmem:v9+s16+$0x0] =	vst.idx.msk $0xffff, v8;
	v11 =	vld [tilespmem:s29+$0x880]  }
0x66: {  	s1 =	sor.u32 $0x380, s1;
	v9 =	vor.u32 $0x200, v3;
	[tilespmem:v6+s16+$0x0] =	vst.idx.msk $0xffff, v5;
	v8 =	vld [tilespmem:s28+$0xA00]  }
0x67: {  	s4 =	simm.s32 $0x440;
	v6 =	vor.u32 $0x380, v2;
	v5 =	vld [tilespmem:s1+$0x800]  }
0x68: {  	v13 =	vld [tilespmem:s4+$0x0];
	[tilespmem:v10+s16+$0x0] =	vst.idx.msk $0xffff, v7  }
0x69: {  	v10 =	vadd.s32 $0x2100, v1;
	v7 =	vld [tilespmem:s25+$0x2900]  }
0x6a: {  	[tilespmem:v12+s16+$0x0] =	vst.idx.msk $0xffff, v11  }
0x6b: {  	v12 =	vor.u32 $0x100, v4;
	[tilespmem:v9+s16+$0x0] =	vst.idx.msk $0xffff, v8;
	v11 =	vld [tilespmem:s29+$0x900]  }
0x6c: {  	v9 =	vor.u32 $0x280, v3;
	[tilespmem:v6+s16+$0x0] =	vst.idx.msk $0xffff, v5;
	v8 =	vld [tilespmem:s28+$0xA80]  }
0x6d: {  	s2 =	simm.s32 $0x200;
	v14 =	vadd.s32 $0x2000, v2;
	s1 =	simm.s32 $0x40;
	v6 =	vld [tilespmem:s26+$0x2800]  }
0x6e: {  	s20 =	sand.u32 $0x1C00, s2;
	s11 =	sand.u32 $0x70, s1;
	v5 =	vshll.u32 v13, $0x3;
	[tilespmem:v10+s16+$0x0] =	vst.idx.msk $0xffff, v7  }
0x6f: {  	s30 =	sor.u32 s11, s20;
	v13 =	vand.u32 $0x7F, v13;
	v5 =	vand.u32 $0xFFFFFC00, v5;
	v10 =	vadd.s32 $0x2180, v1;
	v7 =	vld [tilespmem:s25+$0x2980]  }
0x70: {  	v15 =	vld [tilespmem:s30+$0x800];
	v5 =	vor.u32 v13, v5;
	[tilespmem:v12+s16+$0x0] =	vst.idx.msk $0xffff, v11  }
0x71: {  	v12 =	vor.u32 $0x180, v4;
	[tilespmem:v9+s16+$0x0] =	vst.idx.msk $0xffff, v8;
	v11 =	vld [tilespmem:s29+$0x980]  }
0x72: {  	v16 =	vor.u32 $0x300, v3;
	[tilespmem:v14+s16+$0x0] =	vst.idx.msk $0xffff, v6;
	v9 =	vld [tilespmem:s28+$0xB00]  }
0x73: {  	v14 =	vadd.s32 $0x2080, v2;
	v6 =	vld [tilespmem:s26+$0x2880]  }
0x74: {  	[tilespmem:v10+s16+$0x0] =	vst.idx.msk $0xffff, v7  }
0x75: {  	s21 =	simm.s32 $0x450;
	[tilespmem:v5+s16+$0x0] =	vst.idx.msk $0xffff, v15;
	v10 =	vadd.s32 $0x2200, v1;
	v7 =	vld [tilespmem:s25+$0x2A00]  }
0x76: {  	v8 =	vld [tilespmem:s21+$0x0];
	[tilespmem:v12+s16+$0x0] =	vst.idx.msk $0xffff, v11  }
0x77: {  	s24 =	sor.u32 s9, s5;
	v15 =	vld [tilespmem:s30+$0x880];
	[tilespmem:v16+s16+$0x0] =	vst.idx.msk $0xffff, v9;
	v16 =	vor.u32 $0x80, v5  }
0x78: {  	s4 =	sor.u32 $0x380, s24;
	[tilespmem:v14+s16+$0x0] =	vst.idx.msk $0xffff, v6;
	v14 =	vor.u32 $0x200, v4;
	v13 =	vld [tilespmem:s29+$0xA00]  }
0x79: {  	v12 =	vor.u32 $0x380, v3;
	v11 =	vld [tilespmem:s4+$0x800]  }
0x7a: {  	s5 =	simm.s32 $0x50;
	s9 =	simm.s32 $0x200;
	v9 =	vld [tilespmem:s26+$0x2900];
	[tilespmem:v10+s16+$0x0] =	vst.idx.msk $0xffff, v7;
	v10 =	vadd.s32 $0x2100, v2  }
0x7b: {  	s24 =	sshll.u32 s23, $0xC;
	s11 =	simm.s32 $0x60;
	s4 =	simm.s32 $0x460;
	v7 =	vadd.s32 $0x2280, v1;
	v6 =	vld [tilespmem:s25+$0x2A80]  }
.LBB2_5:
0x7c: {  	v17 =	vld [tilespmem:s4+$0x0];
	p1 =	sne.s32 s11, $0x3F0;
	[tilespmem:v16+s16+$0x0] =	vst.idx.msk $0xffff, v15  }
0x7d: {  	v16 =	vor.u32 $0x100, v5;
	v15 =	vld [tilespmem:s30+$0x900];
	[tilespmem:v14+s16+$0x0] =	vst.idx.msk $0xffff, v13  }
0x7e: {  	v14 =	vor.u32 $0x280, v4;
	v13 =	vld [tilespmem:s29+$0xA80];
	[tilespmem:v12+s16+$0x0] =	vst.idx.msk $0xffff, v11  }
0x7f: {  	s2 =	sadd.s32 $0x80, s2;
	v12 =	vadd.s32 $0x2000, v3;
	v11 =	vld [tilespmem:s28+$0x2800];
	[tilespmem:v10+s16+$0x0] =	vst.idx.msk $0xffff, v9  }
0x80: {  	s20 =	sand.u32 $0x70, s5;
	v18 =	vadd.s32 $0x2180, v2;
	s21 =	sand.u32 $0x1C00, s2;
	v9 =	vshll.u32 v8, $0x3;
	v10 =	vld [tilespmem:s26+$0x2980];
	[tilespmem:v7+s16+$0x0] =	vst.idx.msk $0xffff, v6  }
0x81: {  	v19 =	vadd.s32 $0x2300, v1;
	s20 =	sor.u32 s20, s21;
	v6 =	vand.u32 $0x7F, v8;
	v7 =	vand.u32 $0xFFFFFC00, v9;
	v9 =	vld [tilespmem:s25+$0x2B00];
	v8 =	vmovc v17  }
0x82: {  	v6 =	vor.u32 v6, v7;
	v17 =	vld [tilespmem:s20+$0x800];
	[tilespmem:v16+s16+$0x0] =	vst.idx.msk $0xffff, v15  }
0x83: {  	v20 =	vor.u32 $0x180, v5;
	v7 =	vld [tilespmem:s30+$0x980];
	[tilespmem:v14+s16+$0x0] =	vst.idx.msk $0xffff, v13  }
0x84: {  	v22 =	vor.u32 $0x300, v4;
	v21 =	vld [tilespmem:s29+$0xB00];
	[tilespmem:v12+s16+$0x0] =	vst.idx.msk $0xffff, v11  }
0x85: {  	v24 =	vadd.s32 $0x2080, v3;
	v23 =	vld [tilespmem:s28+$0x2880];
	[tilespmem:v18+s16+$0x0] =	vst.idx.msk $0xffff, v10  }
0x86: {  	v25 =	vadd.s32 $0x2200, v2;
	v18 =	vld [tilespmem:s26+$0x2A00];
	[tilespmem:v19+s16+$0x0] =	vst.idx.msk $0xffff, v9  }
0x87: {  	v19 =	vadd.s32 $0x2380, v1;
	v1 =	vmovc v2;
	v2 =	vmovc v3;
	v3 =	vmov v4;
	v4 =	vmov v5;
	[tilespmem:v6+s16+$0x0] =	vst.idx.msk $0xffff, v17;
	v17 =	vld [tilespmem:s25+$0x2B80];
	s25 =	smov.u32 s26;
	s26 =	smov.u32 s28;
	s28 =	smov.u32 s29  }
.Ltmp3:
0x88: {  	s0 =	sor.u32 s31, s0;
	s31 =	smov.u32 s9;
	v16 =	vor.u32 $0x80, v6;
	v5 =	vmov v6;
	v15 =	vld [tilespmem:s20+$0x880];
	[tilespmem:v20+s16+$0x0] =	vst.idx.msk $0xffff, v7;
	(pc) =	sbr.rel @p1 .LBB2_5-.Ltmp3, $4  }
0x89: {  	s0 =	sor.u32 $0x380, s0;
	s9 =	smov.u32 s2;
	v14 =	vor.u32 $0x200, v4;
	s29 =	smov.u32 s30;
	v13 =	vld [tilespmem:s30+$0xA00];
	[tilespmem:v22+s16+$0x0] =	vst.idx.msk $0xffff, v21  }
0x8a: {  	v12 =	vor.u32 $0x380, v3;
	s30 =	smov.u32 s20;
	v11 =	vld [tilespmem:s0+$0x800];
	[tilespmem:v24+s16+$0x0] =	vst.idx.msk $0xffff, v23;
	s0 =	smov.u32 s1;
	s1 =	smov.u32 s5  }
0x8b: {  	v10 =	vadd.s32 $0x2100, v2;
	s5 =	smov.u32 s11;
	v9 =	vld [tilespmem:s26+$0x2900];
	[tilespmem:v25+s16+$0x0] =	vst.idx.msk $0xffff, v18  }
0x8c: {  	s4 =	sadd.s32 $0x10, s4;
	v7 =	vadd.s32 $0x2280, v1;
	s11 =	sadd.s32 $0x10, s11;
	v6 =	vld [tilespmem:s25+$0x2A80];
	[tilespmem:v19+s16+$0x0] =	vst.idx.msk $0xffff, v17  }
0x8d: {  	s4 =	sadd.s32 $0x80, s2  }
0x8e: {  	s21 =	sand.u32 $0x70, s5;
	v17 =	vshll.u32 v8, $0x3;
	s11 =	sand.u32 $0x1C00, s4  }
0x8f: {  	v48 =	vand.u32 $0x7F, v8;
	v17 =	vand.u32 $0xFFFFFC00, v17;
	s2 =	sor.u32 s21, s11  }
0x90: {  	v8 =	vor.u32 v48, v17;
	v18 =	vld [tilespmem:s2+$0x800];
	_ =	sdelay $0x4  }
0x91: {  	[tilespmem:v8+s16+$0x0] =	vst.idx.msk $0xffff, v18  }
0x92: {  	v50 =	vor.u32 $0x80, v8;
	v49 =	vld [tilespmem:s2+$0x880];
	_ =	sdelay $0x3  }
0x93: {  	[tilespmem:v16+s16+$0x0] =	vst.idx.msk $0xffff, v15  }
0x94: {  	v51 =	vor.u32 $0x100, v5;
	v15 =	vld [tilespmem:s30+$0x900];
	[tilespmem:v50+s16+$0x0] =	vst.idx.msk $0xffff, v49  }
0x95: {  	v52 =	vor.u32 $0x100, v8;
	v17 =	vld [tilespmem:s2+$0x900];
	_ =	sdelay $0x3  }
0x96: {  	[tilespmem:v51+s16+$0x0] =	vst.idx.msk $0xffff, v15  }
0x97: {  	v53 =	vor.u32 $0x180, v5;
	v15 =	vld [tilespmem:s30+$0x980];
	[tilespmem:v52+s16+$0x0] =	vst.idx.msk $0xffff, v17  }
0x98: {  	v54 =	vor.u32 $0x180, v8;
	v17 =	vld [tilespmem:s2+$0x980];
	_ =	sdelay $0x3  }
0x99: {  	[tilespmem:v53+s16+$0x0] =	vst.idx.msk $0xffff, v15  }
0x9a: {  	v55 =	vor.u32 $0x200, v5;
	v15 =	vld [tilespmem:s30+$0xA00];
	[tilespmem:v54+s16+$0x0] =	vst.idx.msk $0xffff, v17  }
0x9b: {  	v56 =	vor.u32 $0x200, v8;
	v17 =	vld [tilespmem:s2+$0xA00];
	_ =	sdelay $0x2  }
0x9c: {  	[tilespmem:v14+s16+$0x0] =	vst.idx.msk $0xffff, v13  }
0x9d: {  	v57 =	vor.u32 $0x280, v4;
	v13 =	vld [tilespmem:s29+$0xA80];
	[tilespmem:v55+s16+$0x0] =	vst.idx.msk $0xffff, v15  }
0x9e: {  	v58 =	vor.u32 $0x280, v5;
	v15 =	vld [tilespmem:s30+$0xA80];
	[tilespmem:v56+s16+$0x0] =	vst.idx.msk $0xffff, v17  }
0x9f: {  	v59 =	vor.u32 $0x280, v8;
	v17 =	vld [tilespmem:s2+$0xA80];
	_ =	sdelay $0x2  }
0xa0: {  	[tilespmem:v57+s16+$0x0] =	vst.idx.msk $0xffff, v13  }
0xa1: {  	v60 =	vor.u32 $0x300, v4;
	v13 =	vld [tilespmem:s29+$0xB00];
	[tilespmem:v58+s16+$0x0] =	vst.idx.msk $0xffff, v15  }
0xa2: {  	v61 =	vor.u32 $0x300, v5;
	v15 =	vld [tilespmem:s30+$0xB00];
	[tilespmem:v59+s16+$0x0] =	vst.idx.msk $0xffff, v17  }
0xa3: {  	v62 =	vor.u32 $0x300, v8;
	v17 =	vld [tilespmem:s2+$0xB00];
	_ =	sdelay $0x1  }
0xa4: {  	s0 =	sor.u32 s31, s0  }
0xa5: {  	s1 =	sor.u32 s9, s1;
	s0 =	sor.u32 $0x380, s0;
	[tilespmem:v60+s16+$0x0] =	vst.idx.msk $0xffff, v13  }
0xa6: {  	v63 =	vor.u32 $0x380, v4;
	s20 =	sor.u32 s4, s5;
	s11 =	sor.u32 $0x380, s1;
	v13 =	vld [tilespmem:s0+$0x800];
	[tilespmem:v61+s16+$0x0] =	vst.idx.msk $0xffff, v15  }
0xa7: {  	v21 =	vor.u32 $0x380, v5;
	s21 =	sor.u32 $0x380, s20;
	v15 =	vld [tilespmem:s11+$0x800];
	[tilespmem:v62+s16+$0x0] =	vst.idx.msk $0xffff, v17  }
0xa8: {  	v22 =	vor.u32 $0x380, v8;
	v17 =	vld [tilespmem:s21+$0x800];
	_ =	sdelay $0x1  }
0xa9: {  	[tilespmem:v12+s16+$0x0] =	vst.idx.msk $0xffff, v11  }
0xaa: {  	v23 =	vadd.s32 $0x2000, v3;
	v11 =	vld [tilespmem:s28+$0x2800];
	[tilespmem:v63+s16+$0x0] =	vst.idx.msk $0xffff, v13  }
0xab: {  	v24 =	vadd.s32 $0x2000, v4;
	v13 =	vld [tilespmem:s29+$0x2800];
	[tilespmem:v21+s16+$0x0] =	vst.idx.msk $0xffff, v15  }
0xac: {  	v25 =	vadd.s32 $0x2000, v5;
	v15 =	vld [tilespmem:s30+$0x2800];
	[tilespmem:v22+s16+$0x0] =	vst.idx.msk $0xffff, v17  }
0xad: {  	v26 =	vadd.s32 $0x2000, v8;
	v17 =	vld [tilespmem:s2+$0x2800];
	_ =	sdelay $0x1  }
0xae: {  	[tilespmem:v23+s16+$0x0] =	vst.idx.msk $0xffff, v11  }
0xaf: {  	v27 =	vadd.s32 $0x2080, v3;
	v11 =	vld [tilespmem:s28+$0x2880];
	[tilespmem:v24+s16+$0x0] =	vst.idx.msk $0xffff, v13  }
0xb0: {  	v28 =	vadd.s32 $0x2080, v4;
	v13 =	vld [tilespmem:s29+$0x2880];
	[tilespmem:v25+s16+$0x0] =	vst.idx.msk $0xffff, v15  }
0xb1: {  	v29 =	vadd.s32 $0x2080, v5;
	v15 =	vld [tilespmem:s30+$0x2880];
	[tilespmem:v26+s16+$0x0] =	vst.idx.msk $0xffff, v17  }
0xb2: {  	v30 =	vadd.s32 $0x2080, v8;
	v17 =	vld [tilespmem:s2+$0x2880];
	_ =	sdelay $0x1  }
0xb3: {  	[tilespmem:v27+s16+$0x0] =	vst.idx.msk $0xffff, v11  }
0xb4: {  	v31 =	vadd.s32 $0x2100, v3;
	v11 =	vld [tilespmem:s28+$0x2900];
	[tilespmem:v28+s16+$0x0] =	vst.idx.msk $0xffff, v13  }
0xb5: {  	v32 =	vadd.s32 $0x2100, v4;
	v13 =	vld [tilespmem:s29+$0x2900];
	[tilespmem:v29+s16+$0x0] =	vst.idx.msk $0xffff, v15  }
0xb6: {  	v33 =	vadd.s32 $0x2100, v5;
	v15 =	vld [tilespmem:s30+$0x2900];
	[tilespmem:v30+s16+$0x0] =	vst.idx.msk $0xffff, v17  }
0xb7: {  	v34 =	vadd.s32 $0x2100, v8;
	v17 =	vld [tilespmem:s2+$0x2900]  }
0xb8: {  	[tilespmem:v10+s16+$0x0] =	vst.idx.msk $0xffff, v9  }
0xb9: {  	v35 =	vadd.s32 $0x2180, v2;
	v9 =	vld [tilespmem:s26+$0x2980];
	[tilespmem:v31+s16+$0x0] =	vst.idx.msk $0xffff, v11  }
0xba: {  	v36 =	vadd.s32 $0x2180, v3;
	v11 =	vld [tilespmem:s28+$0x2980];
	[tilespmem:v32+s16+$0x0] =	vst.idx.msk $0xffff, v13  }
0xbb: {  	v37 =	vadd.s32 $0x2180, v4;
	v13 =	vld [tilespmem:s29+$0x2980];
	[tilespmem:v33+s16+$0x0] =	vst.idx.msk $0xffff, v15  }
0xbc: {  	v38 =	vadd.s32 $0x2180, v5;
	v15 =	vld [tilespmem:s30+$0x2980];
	[tilespmem:v34+s16+$0x0] =	vst.idx.msk $0xffff, v17  }
0xbd: {  	v39 =	vadd.s32 $0x2180, v8;
	v17 =	vld [tilespmem:s2+$0x2980]  }
0xbe: {  	[tilespmem:v35+s16+$0x0] =	vst.idx.msk $0xffff, v9  }
0xbf: {  	v40 =	vadd.s32 $0x2200, v2;
	v9 =	vld [tilespmem:s26+$0x2A00];
	[tilespmem:v36+s16+$0x0] =	vst.idx.msk $0xffff, v11  }
0xc0: {  	v41 =	vadd.s32 $0x2200, v3;
	v11 =	vld [tilespmem:s28+$0x2A00];
	[tilespmem:v37+s16+$0x0] =	vst.idx.msk $0xffff, v13  }
0xc1: {  	v42 =	vadd.s32 $0x2200, v4;
	v13 =	vld [tilespmem:s29+$0x2A00];
	[tilespmem:v38+s16+$0x0] =	vst.idx.msk $0xffff, v15  }
0xc2: {  	v43 =	vadd.s32 $0x2200, v5;
	v15 =	vld [tilespmem:s30+$0x2A00];
	[tilespmem:v39+s16+$0x0] =	vst.idx.msk $0xffff, v17  }
0xc3: {  	v44 =	vadd.s32 $0x2200, v8;
	v17 =	vld [tilespmem:s2+$0x2A00]  }
0xc4: {  	[tilespmem:v40+s16+$0x0] =	vst.idx.msk $0xffff, v9  }
0xc5: {  	v45 =	vadd.s32 $0x2280, v2;
	v9 =	vld [tilespmem:s26+$0x2A80];
	[tilespmem:v41+s16+$0x0] =	vst.idx.msk $0xffff, v11  }
0xc6: {  	v46 =	vadd.s32 $0x2280, v3;
	v11 =	vld [tilespmem:s28+$0x2A80];
	[tilespmem:v42+s16+$0x0] =	vst.idx.msk $0xffff, v13  }
0xc7: {  	v47 =	vadd.s32 $0x2280, v4;
	v13 =	vld [tilespmem:s29+$0x2A80];
	[tilespmem:v43+s16+$0x0] =	vst.idx.msk $0xffff, v15  }
0xc8: {  	v48 =	vadd.s32 $0x2280, v5;
	v15 =	vld [tilespmem:s30+$0x2A80];
	[tilespmem:v44+s16+$0x0] =	vst.idx.msk $0xffff, v17  }
0xc9: {  	[tilespmem:v7+s16+$0x0] =	vst.idx.msk $0xffff, v6;
	v50 =	vadd.s32 $0x2280, v8;
	v49 =	vld [tilespmem:s2+$0x2A80]  }
0xca: {  	v51 =	vld [tilespmem:s25+$0x2B00];
	v52 =	vadd.s32 $0x2300, v1;
	[tilespmem:v45+s16+$0x0] =	vst.idx.msk $0xffff, v9  }
0xcb: {  	v53 =	vadd.s32 $0x2300, v2;
	v9 =	vld [tilespmem:s26+$0x2B00];
	[tilespmem:v46+s16+$0x0] =	vst.idx.msk $0xffff, v11  }
0xcc: {  	v54 =	vadd.s32 $0x2300, v3;
	v11 =	vld [tilespmem:s28+$0x2B00];
	[tilespmem:v47+s16+$0x0] =	vst.idx.msk $0xffff, v13  }
0xcd: {  	v55 =	vadd.s32 $0x2300, v4;
	v13 =	vld [tilespmem:s29+$0x2B00];
	[tilespmem:v48+s16+$0x0] =	vst.idx.msk $0xffff, v15  }
0xce: {  	v56 =	vadd.s32 $0x2300, v5;
	v15 =	vld [tilespmem:s30+$0x2B00];
	[tilespmem:v50+s16+$0x0] =	vst.idx.msk $0xffff, v49  }
0xcf: {  	v57 =	vadd.s32 $0x2300, v8;
	[tilespmem:v52+s16+$0x0] =	vst.idx.msk $0xffff, v51;
	v6 =	vld [tilespmem:s2+$0x2B00]  }
0xd0: {  	v1 =	vadd.s32 $0x2380, v1;
	[tilespmem:v53+s16+$0x0] =	vst.idx.msk $0xffff, v9;
	v17 =	vld [tilespmem:s25+$0x2B80]  }
0xd1: {  	v2 =	vadd.s32 $0x2380, v2;
	v9 =	vld [tilespmem:s26+$0x2B80];
	[tilespmem:v54+s16+$0x0] =	vst.idx.msk $0xffff, v11  }
0xd2: {  	v3 =	vadd.s32 $0x2380, v3;
	v58 =	vld [tilespmem:s28+$0x2B80];
	[tilespmem:v55+s16+$0x0] =	vst.idx.msk $0xffff, v13  }
0xd3: {  	v60 =	vadd.s32 $0x2380, v4;
	v59 =	vld [tilespmem:s29+$0x2B80];
	[tilespmem:v56+s16+$0x0] =	vst.idx.msk $0xffff, v15  }
0xd4: {  	v62 =	vadd.s32 $0x2380, v5;
	v61 =	vld [tilespmem:s30+$0x2B80];
	[tilespmem:v57+s16+$0x0] =	vst.idx.msk $0xffff, v6  }
0xd5: {  	v63 =	vadd.s32 $0x2380, v8;
	[tilespmem:v1+s16+$0x0] =	vst.idx.msk $0xffff, v17;
	v1 =	vld [tilespmem:s2+$0x2B80]  }
0xd6: {  	p1 =	sne.s32 s23, $0x1F;
	[tilespmem:v2+s16+$0x0] =	vst.idx.msk $0xffff, v9  }
.Ltmp4:
0xd7: {  	[tilespmem:v3+s16+$0x0] =	vst.idx.msk $0xffff, v58;
	(pc) =	sbr.rel @p1 .LBB2_8-.Ltmp4, $4  }
0xd8: {  	[tilespmem:v60+s16+$0x0] =	vst.idx.msk $0xffff, v59  }
0xd9: {  	[tilespmem:v62+s16+$0x0] =	vst.idx.msk $0xffff, v61  }
0xda: {  	s31 =	sadd.s32 s24, s6;
	[tilespmem:v63+s16+$0x0] =	vst.idx.msk $0xffff, v1  }
0xdb: {  	[hbm4b:s31+s3] =	stream.linear.scatter [tilespmem:s16], [sflag:$0x3], $0x4000, $0x38;
	[tilespmem:$0x10800] =	vst v63  }
.Ltmp5:
0xdc: {  	(pc) =	sbr.rel .LBB2_9-.Ltmp5, $4  }
0xdd: {  	_ = 	snop  }
0xde: {  	_ =	swait.ge [sflag:s17], $0x4000  }
0xdf: {  	[sflag:s17] =	ssyncset.done $0x0  }
0xe0: {  	[sflag:s17] =	ssyncadd.s32 $0xFFFFC000  }
.LBB2_8:
.Ltmp6:
0xe1: {  	s0 =	sadd.s32 s24, s7;
	(pc) =	sbr.rel @p0 .LBB2_10-.Ltmp6, $4  }
0xe2: {  	[tilespmem:s13], [sflag:$0x1] =	stream.linear.gather [hbm4b:s0+s3], $0x4000, $0x38;
	[tilespmem:$0x10800] =	vst v63  }
0xe3: {  	_ =	swait.ge [sflag:s17], $0x4000  }
0xe4: {  	[sflag:s17] =	ssyncset.done $0x0  }
0xe5: {  	[sflag:s17] =	ssyncadd.s32 $0xFFFFC000  }
.LBB2_9:
0xe6: {  	_ =	swait.ge [sflag:s18], $0x4000  }
0xe7: {  	[sflag:s18] =	ssyncset.done $0x0  }
0xe8: {  	[sflag:s18] =	ssyncadd.s32 $0xFFFFC000  }
.LBB2_10:
0xe9: {  	s0 =	simm.s32 $0x400  }
0xea: {  	v1 =	vld [tilespmem:s0+$0x0];
	_ =	sdelay $0x3  }
0xeb: {  	s0 =	simm.s32 $0x0  }
0xec: {  	s1 =	sand.u32 $0x70, s0;
	s2 =	sand.u32 $0x1C00, s0;
	v2 =	vshll.u32 v1, $0x3  }
0xed: {  	s25 =	sor.u32 s1, s2;
	v1 =	vand.u32 $0x7F, v1;
	v2 =	vand.u32 $0xFFFFFC00, v2  }
0xee: {  	v3 =	vld [tilespmem:s25+$0x4800];
	v1 =	vor.u32 v1, v2;
	_ =	sdelay $0x4  }
0xef: {  	[tilespmem:v1+s19+$0x0] =	vst.idx.msk $0xffff, v3  }
0xf0: {  	v3 =	vor.u32 $0x80, v1;
	v2 =	vld [tilespmem:s25+$0x4880];
	_ =	sdelay $0x1  }
0xf1: {  	s11 =	simm.s32 $0x410  }
0xf2: {  	v4 =	vld [tilespmem:s11+$0x0];
	_ =	sdelay $0x1  }
0xf3: {  	[tilespmem:v3+s19+$0x0] =	vst.idx.msk $0xffff, v2  }
0xf4: {  	v5 =	vor.u32 $0x100, v1;
	v3 =	vld [tilespmem:s25+$0x4900]  }
0xf5: {  	s1 =	simm.s32 $0x10;
	s2 =	simm.s32 $0x80  }
0xf6: {  	s4 =	sand.u32 $0x70, s1;
	s5 =	sand.u32 $0x1C00, s2;
	v2 =	vshll.u32 v4, $0x3  }
0xf7: {  	s26 =	sor.u32 s4, s5;
	v4 =	vand.u32 $0x7F, v4;
	v2 =	vand.u32 $0xFFFFFC00, v2  }
0xf8: {  	v6 =	vld [tilespmem:s26+$0x4800];
	v2 =	vor.u32 v4, v2  }
0xf9: {  	[tilespmem:v5+s19+$0x0] =	vst.idx.msk $0xffff, v3  }
0xfa: {  	v4 =	vor.u32 $0x180, v1;
	v3 =	vld [tilespmem:s25+$0x4980];
	_ =	sdelay $0x2  }
0xfb: {  	[tilespmem:v2+s19+$0x0] =	vst.idx.msk $0xffff, v6  }
0xfc: {  	v6 =	vor.u32 $0x80, v2;
	v5 =	vld [tilespmem:s26+$0x4880]  }
0xfd: {  	[tilespmem:v4+s19+$0x0] =	vst.idx.msk $0xffff, v3  }
0xfe: {  	v4 =	vor.u32 $0x200, v1;
	v3 =	vld [tilespmem:s25+$0x4A00]  }
0xff: {  	s20 =	simm.s32 $0x420  }
0x100: {  	v7 =	vld [tilespmem:s20+$0x0]  }
0x101: {  	[tilespmem:v6+s19+$0x0] =	vst.idx.msk $0xffff, v5  }
0x102: {  	v6 =	vor.u32 $0x100, v2;
	v5 =	vld [tilespmem:s26+$0x4900]  }
0x103: {  	[tilespmem:v4+s19+$0x0] =	vst.idx.msk $0xffff, v3  }
0x104: {  	s9 =	simm.s32 $0x100;
	s5 =	simm.s32 $0x20;
	v8 =	vor.u32 $0x280, v1;
	v4 =	vld [tilespmem:s25+$0x4A80]  }
0x105: {  	s11 =	sand.u32 $0x1C00, s9;
	s21 =	sand.u32 $0x70, s5;
	v3 =	vshll.u32 v7, $0x3  }
0x106: {  	s28 =	sor.u32 s21, s11;
	v7 =	vand.u32 $0x7F, v7;
	v3 =	vand.u32 $0xFFFFFC00, v3  }
0x107: {  	v9 =	vld [tilespmem:s28+$0x4800];
	[tilespmem:v6+s19+$0x0] =	vst.idx.msk $0xffff, v5;
	v3 =	vor.u32 v7, v3  }
0x108: {  	v6 =	vor.u32 $0x180, v2;
	v5 =	vld [tilespmem:s26+$0x4980]  }
0x109: {  	[tilespmem:v8+s19+$0x0] =	vst.idx.msk $0xffff, v4  }
0x10a: {  	v7 =	vor.u32 $0x300, v1;
	v4 =	vld [tilespmem:s25+$0x4B00];
	_ =	sdelay $0x1  }
0x10b: {  	[tilespmem:v3+s19+$0x0] =	vst.idx.msk $0xffff, v9  }
0x10c: {  	v9 =	vor.u32 $0x80, v3;
	[tilespmem:v6+s19+$0x0] =	vst.idx.msk $0xffff, v5;
	v8 =	vld [tilespmem:s28+$0x4880]  }
0x10d: {  	s0 =	sor.u32 s0, s0;
	v6 =	vor.u32 $0x200, v2;
	v5 =	vld [tilespmem:s26+$0x4A00]  }
0x10e: {  	s0 =	sor.u32 $0x380, s0;
	[tilespmem:v7+s19+$0x0] =	vst.idx.msk $0xffff, v4  }
0x10f: {  	s11 =	simm.s32 $0x430;
	v7 =	vor.u32 $0x380, v1;
	v4 =	vld [tilespmem:s0+$0x4800]  }
0x110: {  	v10 =	vld [tilespmem:s11+$0x0]  }
0x111: {  	[tilespmem:v9+s19+$0x0] =	vst.idx.msk $0xffff, v8  }
0x112: {  	v9 =	vor.u32 $0x100, v3;
	[tilespmem:v6+s19+$0x0] =	vst.idx.msk $0xffff, v5;
	v8 =	vld [tilespmem:s28+$0x4900]  }
0x113: {  	v6 =	vor.u32 $0x280, v2;
	v5 =	vld [tilespmem:s26+$0x4A80]  }
0x114: {  	s31 =	simm.s32 $0x180;
	s0 =	simm.s32 $0x30;
	[tilespmem:v7+s19+$0x0] =	vst.idx.msk $0xffff, v4  }
0x115: {  	s21 =	sand.u32 $0x1C00, s31;
	v11 =	vadd.s32 $0x2000, v1;
	s20 =	sand.u32 $0x70, s0;
	v4 =	vshll.u32 v10, $0x3;
	v7 =	vld [tilespmem:s25+$0x6800]  }
0x116: {  	s29 =	sor.u32 s20, s21;
	v10 =	vand.u32 $0x7F, v10;
	v4 =	vand.u32 $0xFFFFFC00, v4  }
0x117: {  	v12 =	vld [tilespmem:s29+$0x4800];
	[tilespmem:v9+s19+$0x0] =	vst.idx.msk $0xffff, v8;
	v4 =	vor.u32 v10, v4  }
0x118: {  	v9 =	vor.u32 $0x180, v3;
	[tilespmem:v6+s19+$0x0] =	vst.idx.msk $0xffff, v5;
	v8 =	vld [tilespmem:s28+$0x4980]  }
0x119: {  	v6 =	vor.u32 $0x300, v2;
	v5 =	vld [tilespmem:s26+$0x4B00]  }
0x11a: {  	[tilespmem:v11+s19+$0x0] =	vst.idx.msk $0xffff, v7  }
0x11b: {  	v10 =	vadd.s32 $0x2080, v1;
	v7 =	vld [tilespmem:s25+$0x6880]  }
0x11c: {  	[tilespmem:v4+s19+$0x0] =	vst.idx.msk $0xffff, v12  }
0x11d: {  	s1 =	sor.u32 s2, s1;
	v12 =	vor.u32 $0x80, v4;
	[tilespmem:v9+s19+$0x0] =	vst.idx.msk $0xffff, v8;
	v11 =	vld [tilespmem:s29+$0x4880]  }
0x11e: {  	s1 =	sor.u32 $0x380, s1;
	v9 =	vor.u32 $0x200, v3;
	[tilespmem:v6+s19+$0x0] =	vst.idx.msk $0xffff, v5;
	v8 =	vld [tilespmem:s28+$0x4A00]  }
0x11f: {  	s11 =	simm.s32 $0x440;
	v6 =	vor.u32 $0x380, v2;
	v5 =	vld [tilespmem:s1+$0x4800]  }
0x120: {  	v13 =	vld [tilespmem:s11+$0x0];
	[tilespmem:v10+s19+$0x0] =	vst.idx.msk $0xffff, v7  }
0x121: {  	v10 =	vadd.s32 $0x2100, v1;
	v7 =	vld [tilespmem:s25+$0x6900]  }
0x122: {  	[tilespmem:v12+s19+$0x0] =	vst.idx.msk $0xffff, v11  }
0x123: {  	v12 =	vor.u32 $0x100, v4;
	[tilespmem:v9+s19+$0x0] =	vst.idx.msk $0xffff, v8;
	v11 =	vld [tilespmem:s29+$0x4900]  }
0x124: {  	v9 =	vor.u32 $0x280, v3;
	[tilespmem:v6+s19+$0x0] =	vst.idx.msk $0xffff, v5;
	v8 =	vld [tilespmem:s28+$0x4A80]  }
0x125: {  	s2 =	simm.s32 $0x200;
	v14 =	vadd.s32 $0x2000, v2;
	s1 =	simm.s32 $0x40;
	v6 =	vld [tilespmem:s26+$0x6800]  }
0x126: {  	s21 =	sand.u32 $0x1C00, s2;
	s20 =	sand.u32 $0x70, s1;
	v5 =	vshll.u32 v13, $0x3;
	[tilespmem:v10+s19+$0x0] =	vst.idx.msk $0xffff, v7  }
0x127: {  	s30 =	sor.u32 s20, s21;
	v13 =	vand.u32 $0x7F, v13;
	v5 =	vand.u32 $0xFFFFFC00, v5;
	v10 =	vadd.s32 $0x2180, v1;
	v7 =	vld [tilespmem:s25+$0x6980]  }
0x128: {  	v15 =	vld [tilespmem:s30+$0x4800];
	v5 =	vor.u32 v13, v5;
	[tilespmem:v12+s19+$0x0] =	vst.idx.msk $0xffff, v11  }
0x129: {  	v12 =	vor.u32 $0x180, v4;
	[tilespmem:v9+s19+$0x0] =	vst.idx.msk $0xffff, v8;
	v11 =	vld [tilespmem:s29+$0x4980]  }
0x12a: {  	v16 =	vor.u32 $0x300, v3;
	[tilespmem:v14+s19+$0x0] =	vst.idx.msk $0xffff, v6;
	v9 =	vld [tilespmem:s28+$0x4B00]  }
0x12b: {  	v14 =	vadd.s32 $0x2080, v2;
	v6 =	vld [tilespmem:s26+$0x6880]  }
0x12c: {  	[tilespmem:v10+s19+$0x0] =	vst.idx.msk $0xffff, v7  }
0x12d: {  	s20 =	simm.s32 $0x450;
	[tilespmem:v5+s19+$0x0] =	vst.idx.msk $0xffff, v15;
	v10 =	vadd.s32 $0x2200, v1;
	v7 =	vld [tilespmem:s25+$0x6A00]  }
0x12e: {  	v8 =	vld [tilespmem:s20+$0x0];
	[tilespmem:v12+s19+$0x0] =	vst.idx.msk $0xffff, v11  }
0x12f: {  	s21 =	sor.u32 s9, s5;
	v15 =	vld [tilespmem:s30+$0x4880];
	[tilespmem:v16+s19+$0x0] =	vst.idx.msk $0xffff, v9;
	v16 =	vor.u32 $0x80, v5  }
0x130: {  	s4 =	sor.u32 $0x380, s21;
	[tilespmem:v14+s19+$0x0] =	vst.idx.msk $0xffff, v6;
	v14 =	vor.u32 $0x200, v4;
	v13 =	vld [tilespmem:s29+$0x4A00]  }
0x131: {  	v12 =	vor.u32 $0x380, v3;
	v11 =	vld [tilespmem:s4+$0x4800]  }
0x132: {  	s11 =	simm.s32 $0x60;
	v9 =	vld [tilespmem:s26+$0x6900];
	[tilespmem:v10+s19+$0x0] =	vst.idx.msk $0xffff, v7;
	v10 =	vadd.s32 $0x2100, v2  }
0x133: {  	s5 =	simm.s32 $0x50;
	s9 =	simm.s32 $0x200;
	s4 =	simm.s32 $0x460;
	v7 =	vadd.s32 $0x2280, v1;
	v6 =	vld [tilespmem:s25+$0x6A80]  }
.LBB2_11:
0x134: {  	v17 =	vld [tilespmem:s4+$0x0];
	p0 =	sne.s32 s11, $0x3F0;
	[tilespmem:v16+s19+$0x0] =	vst.idx.msk $0xffff, v15  }
0x135: {  	v16 =	vor.u32 $0x100, v5;
	v15 =	vld [tilespmem:s30+$0x4900];
	[tilespmem:v14+s19+$0x0] =	vst.idx.msk $0xffff, v13  }
0x136: {  	v14 =	vor.u32 $0x280, v4;
	v13 =	vld [tilespmem:s29+$0x4A80];
	[tilespmem:v12+s19+$0x0] =	vst.idx.msk $0xffff, v11  }
0x137: {  	s2 =	sadd.s32 $0x80, s2;
	v12 =	vadd.s32 $0x2000, v3;
	v11 =	vld [tilespmem:s28+$0x6800];
	[tilespmem:v10+s19+$0x0] =	vst.idx.msk $0xffff, v9  }
0x138: {  	s20 =	sand.u32 $0x70, s5;
	v18 =	vadd.s32 $0x2180, v2;
	s21 =	sand.u32 $0x1C00, s2;
	v9 =	vshll.u32 v8, $0x3;
	v10 =	vld [tilespmem:s26+$0x6980];
	[tilespmem:v7+s19+$0x0] =	vst.idx.msk $0xffff, v6  }
0x139: {  	v19 =	vadd.s32 $0x2300, v1;
	s20 =	sor.u32 s20, s21;
	v6 =	vand.u32 $0x7F, v8;
	v7 =	vand.u32 $0xFFFFFC00, v9;
	v9 =	vld [tilespmem:s25+$0x6B00];
	v8 =	vmovc v17  }
0x13a: {  	v6 =	vor.u32 v6, v7;
	v17 =	vld [tilespmem:s20+$0x4800];
	[tilespmem:v16+s19+$0x0] =	vst.idx.msk $0xffff, v15  }
0x13b: {  	v20 =	vor.u32 $0x180, v5;
	v7 =	vld [tilespmem:s30+$0x4980];
	[tilespmem:v14+s19+$0x0] =	vst.idx.msk $0xffff, v13  }
0x13c: {  	v22 =	vor.u32 $0x300, v4;
	v21 =	vld [tilespmem:s29+$0x4B00];
	[tilespmem:v12+s19+$0x0] =	vst.idx.msk $0xffff, v11  }
0x13d: {  	v24 =	vadd.s32 $0x2080, v3;
	v23 =	vld [tilespmem:s28+$0x6880];
	[tilespmem:v18+s19+$0x0] =	vst.idx.msk $0xffff, v10  }
0x13e: {  	v25 =	vadd.s32 $0x2200, v2;
	v18 =	vld [tilespmem:s26+$0x6A00];
	[tilespmem:v19+s19+$0x0] =	vst.idx.msk $0xffff, v9  }
0x13f: {  	v19 =	vadd.s32 $0x2380, v1;
	v1 =	vmovc v2;
	v2 =	vmovc v3;
	v3 =	vmov v4;
	v4 =	vmov v5;
	[tilespmem:v6+s19+$0x0] =	vst.idx.msk $0xffff, v17;
	v17 =	vld [tilespmem:s25+$0x6B80];
	s25 =	smov.u32 s26;
	s26 =	smov.u32 s28;
	s28 =	smov.u32 s29  }
.Ltmp7:
0x140: {  	s0 =	sor.u32 s31, s0;
	s31 =	smov.u32 s9;
	v16 =	vor.u32 $0x80, v6;
	v5 =	vmov v6;
	v15 =	vld [tilespmem:s20+$0x4880];
	[tilespmem:v20+s19+$0x0] =	vst.idx.msk $0xffff, v7;
	(pc) =	sbr.rel @p0 .LBB2_11-.Ltmp7, $4  }
0x141: {  	s0 =	sor.u32 $0x380, s0;
	s9 =	smov.u32 s2;
	v14 =	vor.u32 $0x200, v4;
	s29 =	smov.u32 s30;
	v13 =	vld [tilespmem:s30+$0x4A00];
	[tilespmem:v22+s19+$0x0] =	vst.idx.msk $0xffff, v21  }
0x142: {  	v12 =	vor.u32 $0x380, v3;
	s30 =	smov.u32 s20;
	v11 =	vld [tilespmem:s0+$0x4800];
	[tilespmem:v24+s19+$0x0] =	vst.idx.msk $0xffff, v23;
	s0 =	smov.u32 s1;
	s1 =	smov.u32 s5  }
0x143: {  	v10 =	vadd.s32 $0x2100, v2;
	s5 =	smov.u32 s11;
	v9 =	vld [tilespmem:s26+$0x6900];
	[tilespmem:v25+s19+$0x0] =	vst.idx.msk $0xffff, v18  }
0x144: {  	s4 =	sadd.s32 $0x10, s4;
	v7 =	vadd.s32 $0x2280, v1;
	s11 =	sadd.s32 $0x10, s11;
	v6 =	vld [tilespmem:s25+$0x6A80];
	[tilespmem:v19+s19+$0x0] =	vst.idx.msk $0xffff, v17  }
0x145: {  	s4 =	sadd.s32 $0x80, s2  }
0x146: {  	s21 =	sand.u32 $0x70, s5;
	v17 =	vshll.u32 v8, $0x3;
	s11 =	sand.u32 $0x1C00, s4  }
0x147: {  	v48 =	vand.u32 $0x7F, v8;
	v17 =	vand.u32 $0xFFFFFC00, v17;
	s2 =	sor.u32 s21, s11  }
0x148: {  	v8 =	vor.u32 v48, v17;
	v18 =	vld [tilespmem:s2+$0x4800];
	_ =	sdelay $0x4  }
0x149: {  	[tilespmem:v8+s19+$0x0] =	vst.idx.msk $0xffff, v18  }
0x14a: {  	v50 =	vor.u32 $0x80, v8;
	v49 =	vld [tilespmem:s2+$0x4880];
	_ =	sdelay $0x3  }
0x14b: {  	[tilespmem:v16+s19+$0x0] =	vst.idx.msk $0xffff, v15  }
0x14c: {  	v51 =	vor.u32 $0x100, v5;
	v15 =	vld [tilespmem:s30+$0x4900];
	[tilespmem:v50+s19+$0x0] =	vst.idx.msk $0xffff, v49  }
0x14d: {  	v52 =	vor.u32 $0x100, v8;
	v17 =	vld [tilespmem:s2+$0x4900];
	_ =	sdelay $0x3  }
0x14e: {  	[tilespmem:v51+s19+$0x0] =	vst.idx.msk $0xffff, v15  }
0x14f: {  	v53 =	vor.u32 $0x180, v5;
	v15 =	vld [tilespmem:s30+$0x4980];
	[tilespmem:v52+s19+$0x0] =	vst.idx.msk $0xffff, v17  }
0x150: {  	v54 =	vor.u32 $0x180, v8;
	v17 =	vld [tilespmem:s2+$0x4980];
	_ =	sdelay $0x3  }
0x151: {  	[tilespmem:v53+s19+$0x0] =	vst.idx.msk $0xffff, v15  }
0x152: {  	v55 =	vor.u32 $0x200, v5;
	v15 =	vld [tilespmem:s30+$0x4A00];
	[tilespmem:v54+s19+$0x0] =	vst.idx.msk $0xffff, v17  }
0x153: {  	v56 =	vor.u32 $0x200, v8;
	v17 =	vld [tilespmem:s2+$0x4A00];
	_ =	sdelay $0x2  }
0x154: {  	[tilespmem:v14+s19+$0x0] =	vst.idx.msk $0xffff, v13  }
0x155: {  	v57 =	vor.u32 $0x280, v4;
	v13 =	vld [tilespmem:s29+$0x4A80];
	[tilespmem:v55+s19+$0x0] =	vst.idx.msk $0xffff, v15  }
0x156: {  	v58 =	vor.u32 $0x280, v5;
	v15 =	vld [tilespmem:s30+$0x4A80];
	[tilespmem:v56+s19+$0x0] =	vst.idx.msk $0xffff, v17  }
0x157: {  	v59 =	vor.u32 $0x280, v8;
	v17 =	vld [tilespmem:s2+$0x4A80];
	_ =	sdelay $0x2  }
0x158: {  	[tilespmem:v57+s19+$0x0] =	vst.idx.msk $0xffff, v13  }
0x159: {  	v60 =	vor.u32 $0x300, v4;
	v13 =	vld [tilespmem:s29+$0x4B00];
	[tilespmem:v58+s19+$0x0] =	vst.idx.msk $0xffff, v15  }
0x15a: {  	v61 =	vor.u32 $0x300, v5;
	v15 =	vld [tilespmem:s30+$0x4B00];
	[tilespmem:v59+s19+$0x0] =	vst.idx.msk $0xffff, v17  }
0x15b: {  	v62 =	vor.u32 $0x300, v8;
	v17 =	vld [tilespmem:s2+$0x4B00];
	_ =	sdelay $0x1  }
0x15c: {  	s0 =	sor.u32 s31, s0  }
0x15d: {  	s1 =	sor.u32 s9, s1;
	s0 =	sor.u32 $0x380, s0;
	[tilespmem:v60+s19+$0x0] =	vst.idx.msk $0xffff, v13  }
0x15e: {  	v63 =	vor.u32 $0x380, v4;
	s20 =	sor.u32 s4, s5;
	s11 =	sor.u32 $0x380, s1;
	v13 =	vld [tilespmem:s0+$0x4800];
	[tilespmem:v61+s19+$0x0] =	vst.idx.msk $0xffff, v15  }
0x15f: {  	v21 =	vor.u32 $0x380, v5;
	s21 =	sor.u32 $0x380, s20;
	v15 =	vld [tilespmem:s11+$0x4800];
	[tilespmem:v62+s19+$0x0] =	vst.idx.msk $0xffff, v17  }
0x160: {  	v22 =	vor.u32 $0x380, v8;
	v17 =	vld [tilespmem:s21+$0x4800];
	_ =	sdelay $0x1  }
0x161: {  	[tilespmem:v12+s19+$0x0] =	vst.idx.msk $0xffff, v11  }
0x162: {  	v23 =	vadd.s32 $0x2000, v3;
	v11 =	vld [tilespmem:s28+$0x6800];
	[tilespmem:v63+s19+$0x0] =	vst.idx.msk $0xffff, v13  }
0x163: {  	v24 =	vadd.s32 $0x2000, v4;
	v13 =	vld [tilespmem:s29+$0x6800];
	[tilespmem:v21+s19+$0x0] =	vst.idx.msk $0xffff, v15  }
0x164: {  	v25 =	vadd.s32 $0x2000, v5;
	v15 =	vld [tilespmem:s30+$0x6800];
	[tilespmem:v22+s19+$0x0] =	vst.idx.msk $0xffff, v17  }
0x165: {  	v26 =	vadd.s32 $0x2000, v8;
	v17 =	vld [tilespmem:s2+$0x6800];
	_ =	sdelay $0x1  }
0x166: {  	[tilespmem:v23+s19+$0x0] =	vst.idx.msk $0xffff, v11  }
0x167: {  	v27 =	vadd.s32 $0x2080, v3;
	v11 =	vld [tilespmem:s28+$0x6880];
	[tilespmem:v24+s19+$0x0] =	vst.idx.msk $0xffff, v13  }
0x168: {  	v28 =	vadd.s32 $0x2080, v4;
	v13 =	vld [tilespmem:s29+$0x6880];
	[tilespmem:v25+s19+$0x0] =	vst.idx.msk $0xffff, v15  }
0x169: {  	v29 =	vadd.s32 $0x2080, v5;
	v15 =	vld [tilespmem:s30+$0x6880];
	[tilespmem:v26+s19+$0x0] =	vst.idx.msk $0xffff, v17  }
0x16a: {  	v30 =	vadd.s32 $0x2080, v8;
	v17 =	vld [tilespmem:s2+$0x6880];
	_ =	sdelay $0x1  }
0x16b: {  	[tilespmem:v27+s19+$0x0] =	vst.idx.msk $0xffff, v11  }
0x16c: {  	v31 =	vadd.s32 $0x2100, v3;
	v11 =	vld [tilespmem:s28+$0x6900];
	[tilespmem:v28+s19+$0x0] =	vst.idx.msk $0xffff, v13  }
0x16d: {  	v32 =	vadd.s32 $0x2100, v4;
	v13 =	vld [tilespmem:s29+$0x6900];
	[tilespmem:v29+s19+$0x0] =	vst.idx.msk $0xffff, v15  }
0x16e: {  	v33 =	vadd.s32 $0x2100, v5;
	v15 =	vld [tilespmem:s30+$0x6900];
	[tilespmem:v30+s19+$0x0] =	vst.idx.msk $0xffff, v17  }
0x16f: {  	v34 =	vadd.s32 $0x2100, v8;
	v17 =	vld [tilespmem:s2+$0x6900]  }
0x170: {  	[tilespmem:v10+s19+$0x0] =	vst.idx.msk $0xffff, v9  }
0x171: {  	v35 =	vadd.s32 $0x2180, v2;
	v9 =	vld [tilespmem:s26+$0x6980];
	[tilespmem:v31+s19+$0x0] =	vst.idx.msk $0xffff, v11  }
0x172: {  	v36 =	vadd.s32 $0x2180, v3;
	v11 =	vld [tilespmem:s28+$0x6980];
	[tilespmem:v32+s19+$0x0] =	vst.idx.msk $0xffff, v13  }
0x173: {  	v37 =	vadd.s32 $0x2180, v4;
	v13 =	vld [tilespmem:s29+$0x6980];
	[tilespmem:v33+s19+$0x0] =	vst.idx.msk $0xffff, v15  }
0x174: {  	v38 =	vadd.s32 $0x2180, v5;
	v15 =	vld [tilespmem:s30+$0x6980];
	[tilespmem:v34+s19+$0x0] =	vst.idx.msk $0xffff, v17  }
0x175: {  	v39 =	vadd.s32 $0x2180, v8;
	v17 =	vld [tilespmem:s2+$0x6980]  }
0x176: {  	[tilespmem:v35+s19+$0x0] =	vst.idx.msk $0xffff, v9  }
0x177: {  	v40 =	vadd.s32 $0x2200, v2;
	v9 =	vld [tilespmem:s26+$0x6A00];
	[tilespmem:v36+s19+$0x0] =	vst.idx.msk $0xffff, v11  }
0x178: {  	v41 =	vadd.s32 $0x2200, v3;
	v11 =	vld [tilespmem:s28+$0x6A00];
	[tilespmem:v37+s19+$0x0] =	vst.idx.msk $0xffff, v13  }
0x179: {  	v42 =	vadd.s32 $0x2200, v4;
	v13 =	vld [tilespmem:s29+$0x6A00];
	[tilespmem:v38+s19+$0x0] =	vst.idx.msk $0xffff, v15  }
0x17a: {  	v43 =	vadd.s32 $0x2200, v5;
	v15 =	vld [tilespmem:s30+$0x6A00];
	[tilespmem:v39+s19+$0x0] =	vst.idx.msk $0xffff, v17  }
0x17b: {  	v44 =	vadd.s32 $0x2200, v8;
	v17 =	vld [tilespmem:s2+$0x6A00]  }
0x17c: {  	[tilespmem:v40+s19+$0x0] =	vst.idx.msk $0xffff, v9  }
0x17d: {  	v45 =	vadd.s32 $0x2280, v2;
	v9 =	vld [tilespmem:s26+$0x6A80];
	[tilespmem:v41+s19+$0x0] =	vst.idx.msk $0xffff, v11  }
0x17e: {  	v46 =	vadd.s32 $0x2280, v3;
	v11 =	vld [tilespmem:s28+$0x6A80];
	[tilespmem:v42+s19+$0x0] =	vst.idx.msk $0xffff, v13  }
0x17f: {  	v47 =	vadd.s32 $0x2280, v4;
	v13 =	vld [tilespmem:s29+$0x6A80];
	[tilespmem:v43+s19+$0x0] =	vst.idx.msk $0xffff, v15  }
0x180: {  	v48 =	vadd.s32 $0x2280, v5;
	v15 =	vld [tilespmem:s30+$0x6A80];
	[tilespmem:v44+s19+$0x0] =	vst.idx.msk $0xffff, v17  }
0x181: {  	[tilespmem:v7+s19+$0x0] =	vst.idx.msk $0xffff, v6;
	v50 =	vadd.s32 $0x2280, v8;
	v49 =	vld [tilespmem:s2+$0x6A80]  }
0x182: {  	v51 =	vld [tilespmem:s25+$0x6B00];
	v52 =	vadd.s32 $0x2300, v1;
	[tilespmem:v45+s19+$0x0] =	vst.idx.msk $0xffff, v9  }
0x183: {  	v53 =	vadd.s32 $0x2300, v2;
	v9 =	vld [tilespmem:s26+$0x6B00];
	[tilespmem:v46+s19+$0x0] =	vst.idx.msk $0xffff, v11  }
0x184: {  	v54 =	vadd.s32 $0x2300, v3;
	v11 =	vld [tilespmem:s28+$0x6B00];
	[tilespmem:v47+s19+$0x0] =	vst.idx.msk $0xffff, v13  }
0x185: {  	v55 =	vadd.s32 $0x2300, v4;
	v13 =	vld [tilespmem:s29+$0x6B00];
	[tilespmem:v48+s19+$0x0] =	vst.idx.msk $0xffff, v15  }
0x186: {  	v56 =	vadd.s32 $0x2300, v5;
	v15 =	vld [tilespmem:s30+$0x6B00];
	[tilespmem:v50+s19+$0x0] =	vst.idx.msk $0xffff, v49  }
0x187: {  	v57 =	vadd.s32 $0x2300, v8;
	[tilespmem:v52+s19+$0x0] =	vst.idx.msk $0xffff, v51;
	v6 =	vld [tilespmem:s2+$0x6B00]  }
0x188: {  	v1 =	vadd.s32 $0x2380, v1;
	[tilespmem:v53+s19+$0x0] =	vst.idx.msk $0xffff, v9;
	v17 =	vld [tilespmem:s25+$0x6B80]  }
0x189: {  	v2 =	vadd.s32 $0x2380, v2;
	v9 =	vld [tilespmem:s26+$0x6B80];
	[tilespmem:v54+s19+$0x0] =	vst.idx.msk $0xffff, v11  }
0x18a: {  	v3 =	vadd.s32 $0x2380, v3;
	v58 =	vld [tilespmem:s28+$0x6B80];
	[tilespmem:v55+s19+$0x0] =	vst.idx.msk $0xffff, v13  }
0x18b: {  	v60 =	vadd.s32 $0x2380, v4;
	v59 =	vld [tilespmem:s29+$0x6B80];
	[tilespmem:v56+s19+$0x0] =	vst.idx.msk $0xffff, v15  }
0x18c: {  	v62 =	vadd.s32 $0x2380, v5;
	v61 =	vld [tilespmem:s30+$0x6B80];
	[tilespmem:v57+s19+$0x0] =	vst.idx.msk $0xffff, v6  }
0x18d: {  	v63 =	vadd.s32 $0x2380, v8;
	[tilespmem:v1+s19+$0x0] =	vst.idx.msk $0xffff, v17;
	v1 =	vld [tilespmem:s2+$0x6B80]  }
0x18e: {  	p0 =	seq.s32 s23, $0x1F;
	[tilespmem:v2+s19+$0x0] =	vst.idx.msk $0xffff, v9  }
.Ltmp8:
0x18f: {  	[tilespmem:v3+s19+$0x0] =	vst.idx.msk $0xffff, v58;
	(pc) =	sbr.rel @p0 .LBB2_14-.Ltmp8, $4  }
0x190: {  	[tilespmem:v60+s19+$0x0] =	vst.idx.msk $0xffff, v59  }
0x191: {  	[tilespmem:v62+s19+$0x0] =	vst.idx.msk $0xffff, v61  }
0x192: {  	s31 =	sadd.s32 s10, s24;
	[tilespmem:v63+s19+$0x0] =	vst.idx.msk $0xffff, v1  }
0x193: {  	[hbm4b:s31+s3] =	stream.linear.scatter [tilespmem:s19], [sflag:$0x4], $0x4000, $0x38;
	[tilespmem:$0x10800] =	vst v63  }
.Ltmp9:
0x194: {  	(pc) =	sbr.rel .LBB2_4-.Ltmp9, $3  }
0x195: {  	_ =	sdelay $0x1  }
0x196: {  	s0 =	sadd.s32 s24, s8;
	s23 =	sadd.s32 $0x1, s23  }
0x197: {  	[tilespmem:s14], [sflag:$0x2] =	stream.linear.gather [hbm4b:s0+s3], $0x4000, $0x38;
	[tilespmem:$0x10800] =	vst v63  }
.LBB2_15:
0x198: {  	_ =	sfence.sel $0x180000  }
0x199: {  	[bflag:$0x0] =	sbarrier.arrive $0xFFFF  }
0x19a: {  	_ =	strace $0x90000047  }
0x19b: {  	s0 =	stileid.u32;
	[bflag:$0x2] =	sbarrier.arrive $0xFFFF  }
0x19c: {  	p0 =	sne.s32 s0, $0x0;
	s0 =	rddreg [dreg:$0x3]  }
0x19d: {  	s0 =	sadd.s32 @!p0 $0x100000, s0  }
0x19e: {  	[sflag:s0] =	ssyncadd.tile.s32 @!p0 $0x1;
	_ =	shalt  }
.Lfunc_end2:
_tile_overlayer_lowered:
.L_overlay_start_2:
0x19f: {  	(tag) =	ssettag $0x2  }
0x1a0: {  	s0 =	rddreg [dreg:$0x0];
	s2 =	stileid.u32  }
0x1a1: {  	s1 =	rddreg [dreg:$0x1];
	p0 =	sne.s32 s2, $0x0  }
0x1a2: {  	s3 =	rddreg [dreg:$0x2];
	[bflag:$0x3] =	sbarrier.arrive $0xFFFF;
	s2 =	simm.s32 @!p0 $0x1C05  }
0x1a3: {  	[timem:s3], [sflag:s2] =	dma.local @!p0 [hbm:s0], s1  }
0x1a4: {  	s0 =	simm.s32 @!p0 $0x5  }
0x1a5: {  	_ =	swait.ge @!p0 [sflag:s0], s1  }
0x1a6: {  	s1 =	ssub.s32 @!p0 $0x0, s1;
	[sflag:s0] =	ssyncset.done @!p0 $0x0  }
0x1a7: {  	[sflag:s0] =	ssyncadd.s32 @!p0 s1  }
0x1a8: {  	[bflag:$0x3] =	sbarrier.arrive $0xFFFF  }
0x1a9: {  	_ =	shalt  }

</sc_bundles>
